<compile_context>
chip_gen: v7x
topology: tpu7x:2x2x1
jax: 0.10.2.dev20260603
libtpu: 0.0.44.dev20260713+nightly
codegen_flags: <defaults>
</compile_context>

<pallas_src>
import functools
import jax
import jax.numpy as jnp
from jax import lax
from jax.experimental import pallas as pl
from jax.experimental.pallas import tpu as pltpu
from jax.experimental.pallas import tpu_sc as plsc

N = 10000
E = 320000
MEM_D = 128
STATIC_D = 16
TIME_D = 16
MSG_D = 16
HEADS = 2
HEAD_D = 64
HD = HEADS * HEAD_D
ACC_W = 144

NC = 2
NS = 16
NW = NC * NS

N_PAD = 10240
E_PER_TILE = E // NW
EB = 40
ROUNDS = E_PER_TILE // EB


def _sc_gather_body(static_hbm, uniq_hbm, lu_hbm, src_hbm,
                    static_out, lus_out,
                    idx_v, rows_v, lu_v, src_v, lus_v, sem):
    cid = lax.axis_index("c")
    sid = lax.axis_index("s")
    wid = sid * NC + cid

    b0 = wid * (N_PAD // NW)
    pltpu.sync_copy(uniq_hbm.at[pl.ds(b0, N_PAD // NW)], idx_v)
    pltpu.async_copy(static_hbm.at[idx_v], rows_v, sem).wait()
    pltpu.sync_copy(rows_v, static_out.at[pl.ds(b0, N_PAD // NW)])

    pltpu.sync_copy(lu_hbm, lu_v)
    ebase = wid * E_PER_TILE
    nblk = 2000

    def round_body(r, _):
        pltpu.sync_copy(src_hbm.at[pl.ds(ebase + r * nblk, nblk)], src_v)

        def vec_body(t, _):
            ids = src_v[pl.ds(t * 16, 16)]
            vals = plsc.load_gather(lu_v, [ids])
            lus_v[pl.ds(t * 16, 16)] = vals
            return 0

        lax.fori_loop(0, nblk // 16, vec_body, 0, unroll=4)
        pltpu.sync_copy(lus_v, lus_out.at[pl.ds(ebase + r * nblk, nblk)])
        return 0

    lax.fori_loop(0, E_PER_TILE // nblk, round_body, 0)


def _sc_gather(static_node_x, uniq_pad, last_update, src):
    mesh = plsc.VectorSubcoreMesh(core_axis_name="c", subcore_axis_name="s")
    f = pl.kernel(
        _sc_gather_body,
        compiler_params=pltpu.CompilerParams(needs_layout_passes=False, use_tc_tiling_on_sc=False),
        out_type=[
            jax.ShapeDtypeStruct((N_PAD, STATIC_D), jnp.float32),
            jax.ShapeDtypeStruct((E,), jnp.int32),
        ],
        mesh=mesh,
        scratch_types=[
            pltpu.VMEM((N_PAD // NW,), jnp.int32),
            pltpu.VMEM((N_PAD // NW, STATIC_D), jnp.float32),
            pltpu.VMEM((N,), jnp.int32),
            pltpu.VMEM((2000,), jnp.int32),
            pltpu.VMEM((2000,), jnp.int32),
            pltpu.SemaphoreType.DMA,
        ],
    )
    return f(static_node_x, uniq_pad, last_update, src)


def _tc_node_body(z_ref, s_ref, pwz_ref, pws_ref, pb_ref,
                  wq_ref, bq_ref, wk_ref, bk_ref, wv_ref, bv_ref,
                  ws_ref, bs_ref, q_ref, kv_ref, skip_ref):
    zp = (jnp.dot(z_ref[...], pwz_ref[...], preferred_element_type=jnp.float32)
          + jnp.dot(s_ref[...], pws_ref[...], preferred_element_type=jnp.float32)
          + pb_ref[...])
    q_ref[...] = jnp.dot(zp, wq_ref[...], preferred_element_type=jnp.float32) + bq_ref[...]
    kv_ref[:, :HD] = jnp.dot(zp, wk_ref[...], preferred_element_type=jnp.float32) + bk_ref[...]
    kv_ref[:, HD:] = jnp.dot(zp, wv_ref[...], preferred_element_type=jnp.float32) + bv_ref[...]
    skip_ref[...] = jnp.dot(zp, ws_ref[...], preferred_element_type=jnp.float32) + bs_ref[...]


def _tc_node(z, static_g, pwz, pws, pb, wq, bq, wk, bk, wv, bv, ws, bs):
    R = 2000
    grid = (N // R,)
    row_spec = lambda w: pl.BlockSpec((R, w), lambda i: (i, 0))
    full = lambda a, b: pl.BlockSpec((a, b), lambda i: (0, 0))
    return pl.pallas_call(
        _tc_node_body,
        grid=grid,
        in_specs=[
            row_spec(MEM_D), row_spec(STATIC_D),
            full(MEM_D, MEM_D), full(STATIC_D, MEM_D), full(1, MEM_D),
            full(MEM_D, HD), full(1, HD),
            full(MEM_D, HD), full(1, HD),
            full(MEM_D, HD), full(1, HD),
            full(MEM_D, HD), full(1, HD),
        ],
        out_specs=[row_spec(HD), row_spec(2 * HD), row_spec(HD)],
        out_shape=[
            jax.ShapeDtypeStruct((N, HD), jnp.float32),
            jax.ShapeDtypeStruct((N, 2 * HD), jnp.float32),
            jax.ShapeDtypeStruct((N, HD), jnp.float32),
        ],
    )(z, static_g, pwz, pws, pb, wq, bq, wk, bk, wv, bv, ws, bs)


def _tc_edge_body(rel128_ref, x_ref, tw128_ref, tb128_ref,
                  w3_ref, wex_ref, be_ref, e_ref):
    enc2 = jnp.cos(rel128_ref[...] * tw128_ref[...] + tb128_ref[...])
    e_enc = jnp.dot(enc2, w3_ref[...],
                    preferred_element_type=jnp.float32)
    e_ref[...] = (e_enc.reshape(e_ref.shape)
                  + jnp.dot(x_ref[...], wex_ref[...], preferred_element_type=jnp.float32)
                  + be_ref[...])


def _tc_edge(rel128, x, tw128, tb128, w3, wex, be):
    R = 2560
    grid = (E // R,)
    row_spec = lambda w: pl.BlockSpec((R, w), lambda i: (i, 0))
    full = lambda a, b: pl.BlockSpec((a, b), lambda i: (0, 0))
    return pl.pallas_call(
        _tc_edge_body,
        grid=grid,
        in_specs=[
            pl.BlockSpec((R // 8, HD), lambda i: (i, 0)),
            row_spec(MSG_D),
            full(1, HD), full(1, HD),
            full(HD, 8 * HD), full(MSG_D, HD), full(1, HD),
        ],
        out_specs=[row_spec(HD)],
        out_shape=[jax.ShapeDtypeStruct((E, HD), jnp.float32)],
    )(rel128, x, tw128, tb128, w3, wex, be)[0]


def _sc_attn_body(q_hbm, kv_hbm, e_hbm, src_hbm, dst_hbm,
                  acc_out,
                  acc, src_v, dst_v, kv_v, q_v, e_v, out_v,
                  sem_kv, sem_q, sem_e, sem_i1, sem_i2, sem_out):
    cid = lax.axis_index("c")
    sid = lax.axis_index("s")

    def zrow(i, _):
        for j in range(ACC_W // 16):
            out_v[i, pl.ds(16 * j, 16)] = jnp.zeros((16,), jnp.float32)
        return 0

    lax.fori_loop(0, EB, zrow, 0)
    rows = N // NS
    rbase = sid * rows
    def zchunk(i, _):
        pltpu.sync_copy(out_v, acc.at[pl.ds(rbase + i * EB, EB)])
        return 0

    lax.fori_loop(0, rows // EB, zchunk, 0)
    pltpu.sync_copy(out_v.at[pl.ds(0, rows % EB)],
                    acc.at[pl.ds(rbase + (rows // EB) * EB, rows % EB)])
    plsc.subcore_barrier()

    tile_base = (cid * NS + sid) * E_PER_TILE

    def round_body(r, _):
        ebase = tile_base + r * EB
        ci1 = pltpu.async_copy(src_hbm.at[pl.ds(ebase, EB)], src_v, sem_i1)
        ci2 = pltpu.async_copy(dst_hbm.at[pl.ds(ebase, EB)], dst_v, sem_i2)
        ce = pltpu.async_copy(e_hbm.at[pl.ds(ebase * HD, EB * HD)], e_v, sem_e)
        ci1.wait()
        ci2.wait()
        ck = pltpu.async_copy(kv_hbm.at[src_v], kv_v, sem_kv)
        cq = pltpu.async_copy(q_hbm.at[dst_v], q_v, sem_q)
        @pl.when(r > 0)
        def _():
            pltpu.make_async_copy(out_v, acc.at[dst_v], sem_out).wait()
        ck.wait()
        cq.wait()
        ce.wait()

        def edge_body(b, _):
            ks = [kv_v[b, pl.ds(16 * j, 16)] for j in range(8)]
            vs = [kv_v[b, pl.ds(HD + 16 * j, 16)] for j in range(8)]
            qs = [q_v[b, pl.ds(16 * j, 16)] for j in range(8)]
            es = [e_v[pl.ds(b * HD + 16 * j, 16)] for j in range(8)]
            kpe = [ks[j] + es[j] for j in range(8)]
            s0 = (qs[0] * kpe[0] + qs[1] * kpe[1]
                  + qs[2] * kpe[2] + qs[3] * kpe[3])
            s1 = (qs[4] * kpe[4] + qs[5] * kpe[5]
                  + qs[6] * kpe[6] + qs[7] * kpe[7])
            a0 = jnp.sum(s0) * 0.125
            a1 = jnp.sum(s1) * 0.125
            p0 = jnp.exp(jnp.broadcast_to(a0, (16,)))
            p1 = jnp.exp(jnp.broadcast_to(a1, (16,)))
            for j in range(4):
                out_v[b, pl.ds(16 * j, 16)] = p0 * (vs[j] + es[j])
            for j in range(4, 8):
                out_v[b, pl.ds(16 * j, 16)] = p1 * (vs[j] + es[j])
            lane = lax.iota(jnp.int32, 16)
            zero = jnp.zeros((16,), jnp.float32)
            d = jnp.where(lane == 0, p0, jnp.where(lane == 1, p1, zero))
            out_v[b, pl.ds(HD, 16)] = d
            return 0

        lax.fori_loop(0, EB, edge_body, 0, unroll=2)
        pltpu.async_copy(out_v, acc.at[dst_v], sem_out, add=True)
        return 0

    lax.fori_loop(0, ROUNDS, round_body, 0)
    pltpu.make_async_copy(out_v, acc.at[dst_v], sem_out).wait()

    plsc.subcore_barrier()

    def pchunk(i, _):
        pltpu.sync_copy(acc.at[pl.ds(rbase + i * EB, EB)], out_v)
        pltpu.sync_copy(out_v, acc_out.at[cid, pl.ds(rbase + i * EB, EB)])
        return 0

    lax.fori_loop(0, rows // EB, pchunk, 0)
    tail = rows % EB
    tbase = rbase + (rows // EB) * EB
    pltpu.sync_copy(acc.at[pl.ds(tbase, tail)], out_v.at[pl.ds(0, tail)])
    pltpu.sync_copy(out_v.at[pl.ds(0, tail)], acc_out.at[cid, pl.ds(tbase, tail)])


def _sc_attn(q, kv, e, src, dst):
    mesh = plsc.VectorSubcoreMesh(core_axis_name="c", subcore_axis_name="s")
    f = pl.kernel(
        _sc_attn_body,
        compiler_params=pltpu.CompilerParams(needs_layout_passes=False, use_tc_tiling_on_sc=False),
        out_type=[jax.ShapeDtypeStruct((NC, N, ACC_W), jnp.float32)],
        mesh=mesh,
        scratch_types=[
            pltpu.VMEM_SHARED((N, ACC_W), jnp.float32),
            pltpu.VMEM((EB,), jnp.int32),
            pltpu.VMEM((EB,), jnp.int32),
            pltpu.VMEM((EB, 2 * HD), jnp.float32),
            pltpu.VMEM((EB, HD), jnp.float32),
            pltpu.VMEM((EB * HD,), jnp.float32),
            pltpu.VMEM((EB, ACC_W), jnp.float32),
            pltpu.SemaphoreType.DMA,
            pltpu.SemaphoreType.DMA,
            pltpu.SemaphoreType.DMA,
            pltpu.SemaphoreType.DMA,
            pltpu.SemaphoreType.DMA,
            pltpu.SemaphoreType.DMA,
        ],
    )
    return f(q, kv, e, src, dst)[0]


def _tc_final_body(acc_ref, skip_ref, out_ref):
    n = acc_ref[0] + acc_ref[1]
    d0 = n[:, HD:HD + 1] + 1e-16
    d1 = n[:, HD + 1:HD + 2] + 1e-16
    out_ref[...] = jnp.concatenate(
        [n[:, :HEAD_D] / d0, n[:, HEAD_D:HD] / d1], axis=1) + skip_ref[...]


def _tc_final(acc, skip):
    R = 2000
    grid = (N // R,)
    return pl.pallas_call(
        _tc_final_body,
        grid=grid,
        in_specs=[
            pl.BlockSpec((NC, R, ACC_W), lambda i: (0, i, 0)),
            pl.BlockSpec((R, HD), lambda i: (i, 0)),
        ],
        out_specs=[pl.BlockSpec((R, HD), lambda i: (i, 0))],
        out_shape=[jax.ShapeDtypeStruct((N, HD), jnp.float32)],
    )(acc, skip)[0]


@jax.jit
def _run(z, last_update, nbr_edge_index, nbr_edge_time, nbr_edge_x,
         unique_nids, static_node_x, proj_w, proj_b, time_w, time_b,
         wq, bq, wk, bk, wv, bv, we, be, ws, bs):
    src = nbr_edge_index[0]
    dst = nbr_edge_index[1]
    uniq_pad = jnp.concatenate(
        [unique_nids, jnp.zeros((N_PAD - N,), jnp.int32)])

    static_g, lu_src = _sc_gather(static_node_x, uniq_pad, last_update, src)
    static_g = static_g[:N]

    q, kv, skip = _tc_node(
        z, static_g,
        proj_w[:MEM_D], proj_w[MEM_D:], proj_b.reshape(1, -1),
        wq, bq.reshape(1, -1), wk, bk.reshape(1, -1),
        wv, bv.reshape(1, -1), ws, bs.reshape(1, -1))

    rel = (lu_src - nbr_edge_time).astype(jnp.float32)
    rel128 = jnp.repeat(rel, TIME_D).reshape(E // 8, 8 * TIME_D)
    tw128 = jnp.tile(time_w, 8).reshape(1, HD)
    tb128 = jnp.tile(time_b, 8).reshape(1, HD)
    w3 = jnp.kron(jnp.eye(8, dtype=jnp.float32), we[:TIME_D])
    e = _tc_edge(rel128, nbr_edge_x, tw128, tb128, w3,
                 we[TIME_D:], be.reshape(1, -1))

    acc = _sc_attn(q, kv, e.reshape(-1), src, dst)
    return _tc_final(acc, skip)


def kernel(z, last_update, nbr_edge_index, nbr_edge_time, nbr_edge_x,
           unique_nids, static_node_x, proj_w, proj_b, time_w, time_b,
           wq, bq, wk, bk, wv, bv, we, be, ws, bs):
    return _run(z, last_update, nbr_edge_index, nbr_edge_time, nbr_edge_x,
                unique_nids, static_node_x, proj_w, proj_b, time_w, time_b,
                wq, bq, wk, bk, wv, bv, we, be, ws, bs)

# --- scband reference (transcript-rebuilt; emitter-appended) ---
"""Pipeline reference for scband-static-augmented-encoder-33251636805944 (READ-ONLY COPY).

The authoritative reference and input builder live on the scoring server;
editing this copy changes nothing except your own understanding.
"""

import jax, jax.numpy as jnp
import numpy as np

N_TOTAL = 100000
N = 10000
E = 320000
MEM_D = 128
STATIC_D = 16
MSG_D = 16
TIME_D = 16
HEADS = 2
HEAD_D = 64
EDGE_D = TIME_D + MSG_D


def setup_inputs(seed: int = 0) -> dict:
    key = jax.random.key(seed)
    ks = jax.random.split(key, 20)
    inp = {}
    inp['z'] = jax.random.normal(ks[0], (N, MEM_D), dtype=jnp.float32)
    inp['last_update'] = jax.random.randint(ks[1], (N,), 0, 100000, dtype=jnp.int32)
    inp['nbr_edge_index'] = jax.random.randint(ks[2], (2, E), 0, N, dtype=jnp.int32)
    inp['nbr_edge_time'] = jax.random.randint(ks[3], (E,), 0, 100000, dtype=jnp.int32)
    inp['nbr_edge_x'] = jax.random.normal(ks[4], (E, MSG_D), dtype=jnp.float32)
    inp['unique_nids'] = jax.random.randint(ks[5], (N,), 0, N_TOTAL, dtype=jnp.int32)
    # learned parameters
    inp['static_node_x'] = jax.random.normal(ks[6], (N_TOTAL, STATIC_D), dtype=jnp.float32)
    s = 1.0 / np.sqrt(MEM_D + STATIC_D)
    inp['proj_w'] = jax.random.uniform(ks[7], (MEM_D + STATIC_D, MEM_D), minval=-s, maxval=s, dtype=jnp.float32)
    inp['proj_b'] = jnp.zeros((MEM_D,), dtype=jnp.float32)
    inp['time_w'] = jax.random.normal(ks[8], (TIME_D,), dtype=jnp.float32)
    inp['time_b'] = jnp.zeros((TIME_D,), dtype=jnp.float32)
    s2 = 1.0 / np.sqrt(MEM_D)
    inp['wq'] = jax.random.uniform(ks[9], (MEM_D, HEADS * HEAD_D), minval=-s2, maxval=s2, dtype=jnp.float32)
    inp['bq'] = jnp.zeros((HEADS * HEAD_D,), dtype=jnp.float32)
    inp['wk'] = jax.random.uniform(ks[10], (MEM_D, HEADS * HEAD_D), minval=-s2, maxval=s2, dtype=jnp.float32)
    inp['bk'] = jnp.zeros((HEADS * HEAD_D,), dtype=jnp.float32)
    inp['wv'] = jax.random.uniform(ks[11], (MEM_D, HEADS * HEAD_D), minval=-s2, maxval=s2, dtype=jnp.float32)
    inp['bv'] = jnp.zeros((HEADS * HEAD_D,), dtype=jnp.float32)
    s3 = 1.0 / np.sqrt(EDGE_D)
    inp['we'] = jax.random.uniform(ks[12], (EDGE_D, HEADS * HEAD_D), minval=-s3, maxval=s3, dtype=jnp.float32)
    inp['be'] = jnp.zeros((HEADS * HEAD_D,), dtype=jnp.float32)
    inp['ws'] = jax.random.uniform(ks[13], (MEM_D, HEADS * HEAD_D), minval=-s2, maxval=s2, dtype=jnp.float32)
    inp['bs'] = jnp.zeros((HEADS * HEAD_D,), dtype=jnp.float32)
    return inp


def reference(z, last_update, nbr_edge_index, nbr_edge_time, nbr_edge_x, unique_nids,
              static_node_x, proj_w, proj_b, time_w, time_b,
              wq, bq, wk, bk, wv, bv, we, be, ws, bs):
    # StaticAugmentedEncoder: fuse static node features into memory
    static = jnp.take(static_node_x, unique_nids, axis=0)          # gather [N, STATIC_D]
    z = jnp.concatenate([z, static], axis=-1) @ proj_w + proj_b    # proj back to memory_dim
    # base_encoder: GraphAttentionEmbedding (TGN) = time encoding + TransformerConv
    src = nbr_edge_index[0]
    dst = nbr_edge_index[1]
    rel_t = (last_update[src] - nbr_edge_time).astype(jnp.float32)
    rel_t_enc = jnp.cos(rel_t[:, None] * time_w[None, :] + time_b[None, :])  # [E, TIME_D]
    edge_attr = jnp.concatenate([rel_t_enc, nbr_edge_x], axis=-1)            # [E, EDGE_D]
    q = (z @ wq + bq).reshape(N, HEADS, HEAD_D)
    k = (z @ wk + bk).reshape(N, HEADS, HEAD_D)
    v = (z @ wv + bv).reshape(N, HEADS, HEAD_D)
    e = (edge_attr @ we + be).reshape(E, HEADS, HEAD_D)
    k_e = jnp.take(k, src, axis=0) + e                             # edge gather
    v_e = jnp.take(v, src, axis=0) + e
    alpha = jnp.sum(jnp.take(q, dst, axis=0) * k_e, axis=-1) / jnp.sqrt(float(HEAD_D))  # [E, H]
    amax = jax.ops.segment_max(alpha, dst, num_segments=N)
    amax = jnp.where(jnp.isfinite(amax), amax, 0.0)
    amax = jax.lax.stop_gradient(amax)
    alpha = jnp.exp(alpha - jnp.take(amax, dst, axis=0))
    denom = jax.ops.segment_sum(alpha, dst, num_segments=N)
    alpha = alpha / (jnp.take(denom, dst, axis=0) + 1e-16)
    out = jax.ops.segment_sum(alpha[..., None] * v_e, dst, num_segments=N)  # scatter-add
    out = out.reshape(N, HEADS * HEAD_D)
    out = out + (z @ ws + bs)                                      # root/skip connection
    return out

if __name__ == "__main__":
    import jax
    _d = setup_inputs()
    print(jax.jit(kernel)(*tuple(_d.values())))

</pallas_src>

<mosaic_0001>
#map = affine_map<(d0, d1) -> (0, 0)>
#map1 = affine_map<(d0, d1) -> (0)>
#map2 = affine_map<(d0, d1) -> (0, 0, 0)>
module attributes {stable_mosaic.version = 14 : i64} {
  func.func @_sc_attn_body(%arg0: i32, %arg1: i32, %arg2: memref<10000x128xf32, #tpu.memory_space<hbm>>, %arg3: memref<10000x256xf32, #tpu.memory_space<hbm>>, %arg4: memref<40960000xf32, #tpu.memory_space<hbm>>, %arg5: memref<320000xi32, #tpu.memory_space<hbm>>, %arg6: memref<320000xi32, #tpu.memory_space<hbm>>, %arg7: memref<2x10000x144xf32, #tpu.memory_space<hbm>>, %arg8: memref<10000x144xf32, #tpu.memory_space<vmem_shared>>, %arg9: memref<40xi32, #tpu.memory_space<vmem>>, %arg10: memref<40xi32, #tpu.memory_space<vmem>>, %arg11: memref<40x256xf32, #tpu.memory_space<vmem>>, %arg12: memref<40x128xf32, #tpu.memory_space<vmem>>, %arg13: memref<5120xf32, #tpu.memory_space<vmem>>, %arg14: memref<40x144xf32, #tpu.memory_space<vmem>>, %arg15: memref<!tpu.dma_semaphore, #tpu.memory_space<semaphore_mem>>, %arg16: memref<!tpu.dma_semaphore, #tpu.memory_space<semaphore_mem>>, %arg17: memref<!tpu.dma_semaphore, #tpu.memory_space<semaphore_mem>>, %arg18: memref<!tpu.dma_semaphore, #tpu.memory_space<semaphore_mem>>, %arg19: memref<!tpu.dma_semaphore, #tpu.memory_space<semaphore_mem>>, %arg20: memref<!tpu.dma_semaphore, #tpu.memory_space<semaphore_mem>>) attributes {dimension_semantics = [#tpu.dimension_semantics<core_parallel>, #tpu.dimension_semantics<subcore_parallel>], iteration_bounds = array<i64: 2, 16>, scalar_prefetch = 0 : i64, scratch_operands = 13 : i64, tpu.core_type = #tpu.core_type<sc_vector_subcore>, window_params = [{transform_indices = #map}, {transform_indices = #map}, {transform_indices = #map1}, {transform_indices = #map1}, {transform_indices = #map1}, {transform_indices = #map2}]} {
    %scan3A = arith.constant 0 : i32
    %scan3A_0 = arith.constant 0 : i32
    %scan3A_1 = arith.constant 40 : i32
    %scan3A_2 = arith.addi %scan3A_0, %scan3A_1 : i32
    %scan3A_3 = arith.constant 1 : i32
    %scan3A_4 = scf.for %scan3A_39 = %scan3A_0 to %scan3A_2 step %scan3A_3 iter_args(%scan3A_40 = %scan3A) -> (i32)  : i32 {
      %broadcast_in_dim3A = arith.constant 0.000000e+00 : f32
      %broadcast_in_dim3A_41 = vector.broadcast %broadcast_in_dim3A : f32 to vector<16xf32>
      %swap3A = arith.index_cast %scan3A_39 : i32 to index
      %swap3A_42 = arith.constant 0 : index
      %swap3A_43 = tpu.vector_load %arg14[%swap3A, %swap3A_42] {strides = array<i32>} : memref<40x144xf32, #tpu.memory_space<vmem>>, vector<16xf32>,
      tpu.vector_store %arg14[%swap3A, %swap3A_42], %broadcast_in_dim3A_41 {strides = array<i32>} : memref<40x144xf32, #tpu.memory_space<vmem>>, vector<16xf32>,
      %broadcast_in_dim3A_44 = arith.constant 0.000000e+00 : f32
      %broadcast_in_dim3A_45 = vector.broadcast %broadcast_in_dim3A_44 : f32 to vector<16xf32>
      %swap3A_46 = arith.index_cast %scan3A_39 : i32 to index
      %swap3A_47 = arith.constant 16 : index
      %swap3A_48 = tpu.vector_load %arg14[%swap3A_46, %swap3A_47] {strides = array<i32>} : memref<40x144xf32, #tpu.memory_space<vmem>>, vector<16xf32>,
      tpu.vector_store %arg14[%swap3A_46, %swap3A_47], %broadcast_in_dim3A_45 {strides = array<i32>} : memref<40x144xf32, #tpu.memory_space<vmem>>, vector<16xf32>,
      %broadcast_in_dim3A_49 = arith.constant 0.000000e+00 : f32
      %broadcast_in_dim3A_50 = vector.broadcast %broadcast_in_dim3A_49 : f32 to vector<16xf32>
      %swap3A_51 = arith.index_cast %scan3A_39 : i32 to index
      %swap3A_52 = arith.constant 32 : index
      %swap3A_53 = tpu.vector_load %arg14[%swap3A_51, %swap3A_52] {strides = array<i32>} : memref<40x144xf32, #tpu.memory_space<vmem>>, vector<16xf32>,
      tpu.vector_store %arg14[%swap3A_51, %swap3A_52], %broadcast_in_dim3A_50 {strides = array<i32>} : memref<40x144xf32, #tpu.memory_space<vmem>>, vector<16xf32>,
      %broadcast_in_dim3A_54 = arith.constant 0.000000e+00 : f32
      %broadcast_in_dim3A_55 = vector.broadcast %broadcast_in_dim3A_54 : f32 to vector<16xf32>
      %swap3A_56 = arith.index_cast %scan3A_39 : i32 to index
      %swap3A_57 = arith.constant 48 : index
      %swap3A_58 = tpu.vector_load %arg14[%swap3A_56, %swap3A_57] {strides = array<i32>} : memref<40x144xf32, #tpu.memory_space<vmem>>, vector<16xf32>,
      tpu.vector_store %arg14[%swap3A_56, %swap3A_57], %broadcast_in_dim3A_55 {strides = array<i32>} : memref<40x144xf32, #tpu.memory_space<vmem>>, vector<16xf32>,
      %broadcast_in_dim3A_59 = arith.constant 0.000000e+00 : f32
      %broadcast_in_dim3A_60 = vector.broadcast %broadcast_in_dim3A_59 : f32 to vector<16xf32>
      %swap3A_61 = arith.index_cast %scan3A_39 : i32 to index
      %swap3A_62 = arith.constant 64 : index
      %swap3A_63 = tpu.vector_load %arg14[%swap3A_61, %swap3A_62] {strides = array<i32>} : memref<40x144xf32, #tpu.memory_space<vmem>>, vector<16xf32>,
      tpu.vector_store %arg14[%swap3A_61, %swap3A_62], %broadcast_in_dim3A_60 {strides = array<i32>} : memref<40x144xf32, #tpu.memory_space<vmem>>, vector<16xf32>,
      %broadcast_in_dim3A_64 = arith.constant 0.000000e+00 : f32
      %broadcast_in_dim3A_65 = vector.broadcast %broadcast_in_dim3A_64 : f32 to vector<16xf32>
      %swap3A_66 = arith.index_cast %scan3A_39 : i32 to index
      %swap3A_67 = arith.constant 80 : index
      %swap3A_68 = tpu.vector_load %arg14[%swap3A_66, %swap3A_67] {strides = array<i32>} : memref<40x144xf32, #tpu.memory_space<vmem>>, vector<16xf32>,
      tpu.vector_store %arg14[%swap3A_66, %swap3A_67], %broadcast_in_dim3A_65 {strides = array<i32>} : memref<40x144xf32, #tpu.memory_space<vmem>>, vector<16xf32>,
      %broadcast_in_dim3A_69 = arith.constant 0.000000e+00 : f32
      %broadcast_in_dim3A_70 = vector.broadcast %broadcast_in_dim3A_69 : f32 to vector<16xf32>
      %swap3A_71 = arith.index_cast %scan3A_39 : i32 to index
      %swap3A_72 = arith.constant 96 : index
      %swap3A_73 = tpu.vector_load %arg14[%swap3A_71, %swap3A_72] {strides = array<i32>} : memref<40x144xf32, #tpu.memory_space<vmem>>, vector<16xf32>,
      tpu.vector_store %arg14[%swap3A_71, %swap3A_72], %broadcast_in_dim3A_70 {strides = array<i32>} : memref<40x144xf32, #tpu.memory_space<vmem>>, vector<16xf32>,
      %broadcast_in_dim3A_74 = arith.constant 0.000000e+00 : f32
      %broadcast_in_dim3A_75 = vector.broadcast %broadcast_in_dim3A_74 : f32 to vector<16xf32>
      %swap3A_76 = arith.index_cast %scan3A_39 : i32 to index
      %swap3A_77 = arith.constant 112 : index
      %swap3A_78 = tpu.vector_load %arg14[%swap3A_76, %swap3A_77] {strides = array<i32>} : memref<40x144xf32, #tpu.memory_space<vmem>>, vector<16xf32>,
      tpu.vector_store %arg14[%swap3A_76, %swap3A_77], %broadcast_in_dim3A_75 {strides = array<i32>} : memref<40x144xf32, #tpu.memory_space<vmem>>, vector<16xf32>,
      %broadcast_in_dim3A_79 = arith.constant 0.000000e+00 : f32
      %broadcast_in_dim3A_80 = vector.broadcast %broadcast_in_dim3A_79 : f32 to vector<16xf32>
      %swap3A_81 = arith.index_cast %scan3A_39 : i32 to index
      %swap3A_82 = arith.constant 128 : index
      %swap3A_83 = tpu.vector_load %arg14[%swap3A_81, %swap3A_82] {strides = array<i32>} : memref<40x144xf32, #tpu.memory_space<vmem>>, vector<16xf32>,
      tpu.vector_store %arg14[%swap3A_81, %swap3A_82], %broadcast_in_dim3A_80 {strides = array<i32>} : memref<40x144xf32, #tpu.memory_space<vmem>>, vector<16xf32>,
      %scan3A_84 = arith.constant 0 : i32
      scf.yield %scan3A_84 : i32
    }
    %scan3A_5 = arith.constant 40 : i32
    %mul3A = arith.constant 625 : i32
    %mul3A_6 = arith.muli %arg1, %mul3A : i32
    %scan3A_7 = arith.constant 0 : i32
    %scan3A_8 = arith.constant 0 : i32
    %scan3A_9 = arith.constant 15 : i32
    %scan3A_10 = arith.addi %scan3A_8, %scan3A_9 : i32
    %scan3A_11 = arith.constant 1 : i32
    %scan3A_12 = scf.for %scan3A_39 = %scan3A_8 to %scan3A_10 step %scan3A_11 iter_args(%scan3A_40 = %scan3A_7) -> (i32)  : i32 {
      %mul3A_41 = arith.constant 40 : i32
      %mul3A_42 = arith.muli %scan3A_39, %mul3A_41 : i32
      %add3A_43 = arith.addi %mul3A_6, %mul3A_42 : i32
      "tpu.region"() ({
        %run_scoped3A = tpu.sem_alloc : memref<!tpu.dma_semaphore, #tpu.memory_space<semaphore_mem>>
        %dma_start3A = arith.constant 0 : i32
        %dma_start3A_45 = tpu.memref_slice %arg8[%add3A_43, %dma_start3A] : memref<10000x144xf32, #tpu.memory_space<vmem_shared>> -> memref<40x144xf32, #tpu.memory_space<vmem_shared>>
        %dma_start3A_46 = arith.constant 0 : i32
        %dma_start3A_47 = tpu.memref_slice %arg8[%add3A_43, %dma_start3A_46] : memref<10000x144xf32, #tpu.memory_space<vmem_shared>> -> memref<40x144xf32, #tpu.memory_space<vmem_shared>>
        tpu.enqueue_dma source(%arg14 : memref<40x144xf32, #tpu.memory_space<vmem>>) target(%dma_start3A_47 : memref<40x144xf32, #tpu.memory_space<vmem_shared>>) target_semaphore(%run_scoped3A : memref<!tpu.dma_semaphore, #tpu.memory_space<semaphore_mem>>)
        %dma_wait3A_48 = arith.constant 0 : i32
        %dma_wait3A_49 = tpu.memref_slice %arg8[%add3A_43, %dma_wait3A_48] : memref<10000x144xf32, #tpu.memory_space<vmem_shared>> -> memref<40x144xf32, #tpu.memory_space<vmem_shared>>
        %dma_wait3A_50 = arith.constant 0 : i32
        %dma_wait3A_51 = tpu.memref_slice %arg8[%add3A_43, %dma_wait3A_50] : memref<10000x144xf32, #tpu.memory_space<vmem_shared>> -> memref<40x144xf32, #tpu.memory_space<vmem_shared>>
        tpu.wait_dma2 semaphore(%run_scoped3A : memref<!tpu.dma_semaphore, #tpu.memory_space<semaphore_mem>>) src(%arg14 : memref<40x144xf32, #tpu.memory_space<vmem>>) dst(%dma_wait3A_51 : memref<40x144xf32, #tpu.memory_space<vmem_shared>>)
        tpu.yield
      }) : () -> ()
      %scan3A_44 = arith.constant 0 : i32
      scf.yield %scan3A_44 : i32
    }
    %scan3A_13 = arith.constant 15 : i32
    %add3A = arith.constant 600 : i32
    %add3A_14 = arith.addi %mul3A_6, %add3A : i32
    "tpu.region"() ({
      %run_scoped3A = tpu.sem_alloc : memref<!tpu.dma_semaphore, #tpu.memory_space<semaphore_mem>>
      %dma_start3A = arith.constant 0 : i32
      %dma_start3A_39 = arith.constant 0 : i32
      %dma_start3A_40 = tpu.memref_slice %arg14[%dma_start3A, %dma_start3A_39] : memref<40x144xf32, #tpu.memory_space<vmem>> -> memref<25x144xf32, #tpu.memory_space<vmem>>
      %dma_start3A_41 = arith.constant 0 : i32
      %dma_start3A_42 = tpu.memref_slice %arg8[%add3A_14, %dma_start3A_41] : memref<10000x144xf32, #tpu.memory_space<vmem_shared>> -> memref<25x144xf32, #tpu.memory_space<vmem_shared>>
      %dma_start3A_43 = arith.constant 0 : i32
      %dma_start3A_44 = tpu.memref_slice %arg8[%add3A_14, %dma_start3A_43] : memref<10000x144xf32, #tpu.memory_space<vmem_shared>> -> memref<25x144xf32, #tpu.memory_space<vmem_shared>>
      %dma_start3A_45 = arith.constant 0 : i32
      %dma_start3A_46 = arith.constant 0 : i32
      %dma_start3A_47 = tpu.memref_slice %arg14[%dma_start3A_45, %dma_start3A_46] : memref<40x144xf32, #tpu.memory_space<vmem>> -> memref<25x144xf32, #tpu.memory_space<vmem>>
      tpu.enqueue_dma source(%dma_start3A_47 : memref<25x144xf32, #tpu.memory_space<vmem>>) target(%dma_start3A_44 : memref<25x144xf32, #tpu.memory_space<vmem_shared>>) target_semaphore(%run_scoped3A : memref<!tpu.dma_semaphore, #tpu.memory_space<semaphore_mem>>)
      %dma_wait3A_48 = arith.constant 0 : i32
      %dma_wait3A_49 = arith.constant 0 : i32
      %dma_wait3A_50 = tpu.memref_slice %arg14[%dma_wait3A_48, %dma_wait3A_49] : memref<40x144xf32, #tpu.memory_space<vmem>> -> memref<25x144xf32, #tpu.memory_space<vmem>>
      %dma_wait3A_51 = arith.constant 0 : i32
      %dma_wait3A_52 = tpu.memref_slice %arg8[%add3A_14, %dma_wait3A_51] : memref<10000x144xf32, #tpu.memory_space<vmem_shared>> -> memref<25x144xf32, #tpu.memory_space<vmem_shared>>
      %dma_wait3A_53 = arith.constant 0 : i32
      %dma_wait3A_54 = tpu.memref_slice %arg8[%add3A_14, %dma_wait3A_53] : memref<10000x144xf32, #tpu.memory_space<vmem_shared>> -> memref<25x144xf32, #tpu.memory_space<vmem_shared>>
      %dma_wait3A_55 = arith.constant 0 : i32
      %dma_wait3A_56 = arith.constant 0 : i32
      %dma_wait3A_57 = tpu.memref_slice %arg14[%dma_wait3A_55, %dma_wait3A_56] : memref<40x144xf32, #tpu.memory_space<vmem>> -> memref<25x144xf32, #tpu.memory_space<vmem>>
      tpu.wait_dma2 semaphore(%run_scoped3A : memref<!tpu.dma_semaphore, #tpu.memory_space<semaphore_mem>>) src(%dma_wait3A_57 : memref<25x144xf32, #tpu.memory_space<vmem>>) dst(%dma_wait3A_54 : memref<25x144xf32, #tpu.memory_space<vmem_shared>>)
      tpu.yield
    }) : () -> ()
    %barrier3A = arith.constant 0 : index
    tpu.barrier barrier_id(%barrier3A)
    %mul3A_15 = arith.constant 16 : i32
    %mul3A_16 = arith.muli %arg0, %mul3A_15 : i32
    %add3A_17 = arith.addi %mul3A_16, %arg1 : i32
    %mul3A_18 = arith.constant 10000 : i32
    %mul3A_19 = arith.muli %add3A_17, %mul3A_18 : i32
    %scan3A_20 = arith.constant 0 : i32
    %scan3A_21 = arith.constant 0 : i32
    %scan3A_22 = arith.constant 250 : i32
    %scan3A_23 = arith.addi %scan3A_21, %scan3A_22 : i32
    %scan3A_24 = arith.constant 1 : i32
    %scan3A_25 = scf.for %scan3A_39 = %scan3A_21 to %scan3A_23 step %scan3A_24 iter_args(%scan3A_40 = %scan3A_20) -> (i32)  : i32 {
      %mul3A_41 = arith.constant 40 : i32
      %mul3A_42 = arith.muli %scan3A_39, %mul3A_41 : i32
      %add3A_43 = arith.addi %mul3A_19, %mul3A_42 : i32
      %dma_start3A = tpu.memref_slice %arg5[%add3A_43] : memref<320000xi32, #tpu.memory_space<hbm>> -> memref<40xi32, #tpu.memory_space<hbm>>
      %dma_start3A_44 = tpu.memref_slice %arg5[%add3A_43] : memref<320000xi32, #tpu.memory_space<hbm>> -> memref<40xi32, #tpu.memory_space<hbm>>
      tpu.enqueue_dma source(%dma_start3A_44 : memref<40xi32, #tpu.memory_space<hbm>>) target(%arg9 : memref<40xi32, #tpu.memory_space<vmem>>) target_semaphore(%arg18 : memref<!tpu.dma_semaphore, #tpu.memory_space<semaphore_mem>>)
      %dma_start3A_45 = tpu.memref_slice %arg6[%add3A_43] : memref<320000xi32, #tpu.memory_space<hbm>> -> memref<40xi32, #tpu.memory_space<hbm>>
      %dma_start3A_46 = tpu.memref_slice %arg6[%add3A_43] : memref<320000xi32, #tpu.memory_space<hbm>> -> memref<40xi32, #tpu.memory_space<hbm>>
      tpu.enqueue_dma source(%dma_start3A_46 : memref<40xi32, #tpu.memory_space<hbm>>) target(%arg10 : memref<40xi32, #tpu.memory_space<vmem>>) target_semaphore(%arg19 : memref<!tpu.dma_semaphore, #tpu.memory_space<semaphore_mem>>)
      %mul3A_47 = arith.constant 128 : i32
      %mul3A_48 = arith.muli %add3A_43, %mul3A_47 : i32
      %dma_start3A_49 = tpu.memref_slice %arg4[%mul3A_48] : memref<40960000xf32, #tpu.memory_space<hbm>> -> memref<5120xf32, #tpu.memory_space<hbm>>
      %dma_start3A_50 = tpu.memref_slice %arg4[%mul3A_48] : memref<40960000xf32, #tpu.memory_space<hbm>> -> memref<5120xf32, #tpu.memory_space<hbm>>
      tpu.enqueue_dma source(%dma_start3A_50 : memref<5120xf32, #tpu.memory_space<hbm>>) target(%arg13 : memref<5120xf32, #tpu.memory_space<vmem>>) target_semaphore(%arg17 : memref<!tpu.dma_semaphore, #tpu.memory_space<semaphore_mem>>)
      %dma_wait3A_51 = tpu.memref_slice %arg5[%add3A_43] : memref<320000xi32, #tpu.memory_space<hbm>> -> memref<40xi32, #tpu.memory_space<hbm>>
      %dma_wait3A_52 = tpu.memref_slice %arg5[%add3A_43] : memref<320000xi32, #tpu.memory_space<hbm>> -> memref<40xi32, #tpu.memory_space<hbm>>
      tpu.wait_dma2 semaphore(%arg18 : memref<!tpu.dma_semaphore, #tpu.memory_space<semaphore_mem>>) src(%dma_wait3A_52 : memref<40xi32, #tpu.memory_space<hbm>>) dst(%arg9 : memref<40xi32, #tpu.memory_space<vmem>>)
      %dma_wait3A_53 = tpu.memref_slice %arg6[%add3A_43] : memref<320000xi32, #tpu.memory_space<hbm>> -> memref<40xi32, #tpu.memory_space<hbm>>
      %dma_wait3A_54 = tpu.memref_slice %arg6[%add3A_43] : memref<320000xi32, #tpu.memory_space<hbm>> -> memref<40xi32, #tpu.memory_space<hbm>>
      tpu.wait_dma2 semaphore(%arg19 : memref<!tpu.dma_semaphore, #tpu.memory_space<semaphore_mem>>) src(%dma_wait3A_54 : memref<40xi32, #tpu.memory_space<hbm>>) dst(%arg10 : memref<40xi32, #tpu.memory_space<vmem>>)
      %dma_start3A_55 = arith.constant 0 : i32
      %dma_start3A_56 = arith.constant 0 : i32
      %dma_start3A_57 = tpu.memref_slice %arg3[%dma_start3A_55, %dma_start3A_56] : memref<10000x256xf32, #tpu.memory_space<hbm>> -> memref<10000x256xf32, #tpu.memory_space<hbm>>
      tpu.enqueue_indirect_dma source(%dma_start3A_57 : memref<10000x256xf32, #tpu.memory_space<hbm>>) target(%arg11 : memref<40x256xf32, #tpu.memory_space<vmem>>) offsets(%arg9 : memref<40xi32, #tpu.memory_space<vmem>>) semaphore(%arg15 : memref<!tpu.dma_semaphore, #tpu.memory_space<semaphore_mem>>)
      %dma_start3A_58 = arith.constant 0 : i32
      %dma_start3A_59 = arith.constant 0 : i32
      %dma_start3A_60 = tpu.memref_slice %arg2[%dma_start3A_58, %dma_start3A_59] : memref<10000x128xf32, #tpu.memory_space<hbm>> -> memref<10000x128xf32, #tpu.memory_space<hbm>>
      tpu.enqueue_indirect_dma source(%dma_start3A_60 : memref<10000x128xf32, #tpu.memory_space<hbm>>) target(%arg12 : memref<40x128xf32, #tpu.memory_space<vmem>>) offsets(%arg10 : memref<40xi32, #tpu.memory_space<vmem>>) semaphore(%arg16 : memref<!tpu.dma_semaphore, #tpu.memory_space<semaphore_mem>>)
      %gt3A = arith.constant 0 : i32
      %gt3A_61 = arith.cmpi sgt, %scan3A_39, %gt3A : i32
      %convert_element_type3A = arith.extui %gt3A_61 : i1 to i32
      %cond3A = arith.constant 0 : i32
      %cond3A_62 = arith.cmpi ne, %convert_element_type3A, %cond3A : i32
      scf.if %cond3A_62 {
        %dma_wait3A_82 = arith.constant 0 : i32
        %dma_wait3A_83 = arith.constant 0 : i32
        %dma_wait3A_84 = tpu.memref_slice %arg8[%dma_wait3A_82, %dma_wait3A_83] : memref<10000x144xf32, #tpu.memory_space<vmem_shared>> -> memref<10000x144xf32, #tpu.memory_space<vmem_shared>>
        tpu.wait_indirect_dma semaphore(%arg20 : memref<!tpu.dma_semaphore, #tpu.memory_space<semaphore_mem>>) src(%arg14 : memref<40x144xf32, #tpu.memory_space<vmem>>) dst(%dma_wait3A_84 : memref<10000x144xf32, #tpu.memory_space<vmem_shared>>)
      } else {
      }
      %dma_wait3A_63 = arith.constant 0 : i32
      %dma_wait3A_64 = arith.constant 0 : i32
      %dma_wait3A_65 = tpu.memref_slice %arg3[%dma_wait3A_63, %dma_wait3A_64] : memref<10000x256xf32, #tpu.memory_space<hbm>> -> memref<10000x256xf32, #tpu.memory_space<hbm>>
      tpu.wait_indirect_dma semaphore(%arg15 : memref<!tpu.dma_semaphore, #tpu.memory_space<semaphore_mem>>) src(%dma_wait3A_65 : memref<10000x256xf32, #tpu.memory_space<hbm>>) dst(%arg11 : memref<40x256xf32, #tpu.memory_space<vmem>>)
      %dma_wait3A_66 = arith.constant 0 : i32
      %dma_wait3A_67 = arith.constant 0 : i32
      %dma_wait3A_68 = tpu.memref_slice %arg2[%dma_wait3A_66, %dma_wait3A_67] : memref<10000x128xf32, #tpu.memory_space<hbm>> -> memref<10000x128xf32, #tpu.memory_space<hbm>>
      tpu.wait_indirect_dma semaphore(%arg16 : memref<!tpu.dma_semaphore, #tpu.memory_space<semaphore_mem>>) src(%dma_wait3A_68 : memref<10000x128xf32, #tpu.memory_space<hbm>>) dst(%arg12 : memref<40x128xf32, #tpu.memory_space<vmem>>)
      %dma_wait3A_69 = tpu.memref_slice %arg4[%mul3A_48] : memref<40960000xf32, #tpu.memory_space<hbm>> -> memref<5120xf32, #tpu.memory_space<hbm>>
      %dma_wait3A_70 = tpu.memref_slice %arg4[%mul3A_48] : memref<40960000xf32, #tpu.memory_space<hbm>> -> memref<5120xf32, #tpu.memory_space<hbm>>
      tpu.wait_dma2 semaphore(%arg17 : memref<!tpu.dma_semaphore, #tpu.memory_space<semaphore_mem>>) src(%dma_wait3A_70 : memref<5120xf32, #tpu.memory_space<hbm>>) dst(%arg13 : memref<5120xf32, #tpu.memory_space<vmem>>)
      %scan3A_71 = arith.constant 0 : i32
      %scan3A_72 = arith.constant 0 : i32
      %scan3A_73 = arith.constant 40 : i32
      %scan3A_74 = arith.addi %scan3A_72, %scan3A_73 : i32
      %scan3A_75 = arith.constant 2 : i32
      %scan3A_76 = scf.for %scan3A_82 = %scan3A_72 to %scan3A_74 step %scan3A_75 iter_args(%scan3A_83 = %scan3A_71) -> (i32)  : i32 {
        %get3A = arith.index_cast %scan3A_82 : i32 to index
        %get3A_84 = arith.constant 0 : index
        %get3A_85 = tpu.vector_load %arg11[%get3A, %get3A_84] {strides = array<i32>} : memref<40x256xf32, #tpu.memory_space<vmem>>, vector<16xf32>,
        %get3A_86 = arith.index_cast %scan3A_82 : i32 to index
        %get3A_87 = arith.constant 16 : index
        %get3A_88 = tpu.vector_load %arg11[%get3A_86, %get3A_87] {strides = array<i32>} : memref<40x256xf32, #tpu.memory_space<vmem>>, vector<16xf32>,
        %get3A_89 = arith.index_cast %scan3A_82 : i32 to index
        %get3A_90 = arith.constant 32 : index
        %get3A_91 = tpu.vector_load %arg11[%get3A_89, %get3A_90] {strides = array<i32>} : memref<40x256xf32, #tpu.memory_space<vmem>>, vector<16xf32>,
        %get3A_92 = arith.index_cast %scan3A_82 : i32 to index
        %get3A_93 = arith.constant 48 : index
        %get3A_94 = tpu.vector_load %arg11[%get3A_92, %get3A_93] {strides = array<i32>} : memref<40x256xf32, #tpu.memory_space<vmem>>, vector<16xf32>,
        %get3A_95 = arith.index_cast %scan3A_82 : i32 to index
        %get3A_96 = arith.constant 64 : index
        %get3A_97 = tpu.vector_load %arg11[%get3A_95, %get3A_96] {strides = array<i32>} : memref<40x256xf32, #tpu.memory_space<vmem>>, vector<16xf32>,
        %get3A_98 = arith.index_cast %scan3A_82 : i32 to index
        %get3A_99 = arith.constant 80 : index
        %get3A_100 = tpu.vector_load %arg11[%get3A_98, %get3A_99] {strides = array<i32>} : memref<40x256xf32, #tpu.memory_space<vmem>>, vector<16xf32>,
        %get3A_101 = arith.index_cast %scan3A_82 : i32 to index
        %get3A_102 = arith.constant 96 : index
        %get3A_103 = tpu.vector_load %arg11[%get3A_101, %get3A_102] {strides = array<i32>} : memref<40x256xf32, #tpu.memory_space<vmem>>, vector<16xf32>,
        %get3A_104 = arith.index_cast %scan3A_82 : i32 to index
        %get3A_105 = arith.constant 112 : index
        %get3A_106 = tpu.vector_load %arg11[%get3A_104, %get3A_105] {strides = array<i32>} : memref<40x256xf32, #tpu.memory_space<vmem>>, vector<16xf32>,
        %get3A_107 = arith.index_cast %scan3A_82 : i32 to index
        %get3A_108 = arith.constant 128 : index
        %get3A_109 = tpu.vector_load %arg11[%get3A_107, %get3A_108] {strides = array<i32>} : memref<40x256xf32, #tpu.memory_space<vmem>>, vector<16xf32>,
        %get3A_110 = arith.index_cast %scan3A_82 : i32 to index
        %get3A_111 = arith.constant 144 : index
        %get3A_112 = tpu.vector_load %arg11[%get3A_110, %get3A_111] {strides = array<i32>} : memref<40x256xf32, #tpu.memory_space<vmem>>, vector<16xf32>,
        %get3A_113 = arith.index_cast %scan3A_82 : i32 to index
        %get3A_114 = arith.constant 160 : index
        %get3A_115 = tpu.vector_load %arg11[%get3A_113, %get3A_114] {strides = array<i32>} : memref<40x256xf32, #tpu.memory_space<vmem>>, vector<16xf32>,
        %get3A_116 = arith.index_cast %scan3A_82 : i32 to index
        %get3A_117 = arith.constant 176 : index
        %get3A_118 = tpu.vector_load %arg11[%get3A_116, %get3A_117] {strides = array<i32>} : memref<40x256xf32, #tpu.memory_space<vmem>>, vector<16xf32>,
        %get3A_119 = arith.index_cast %scan3A_82 : i32 to index
        %get3A_120 = arith.constant 192 : index
        %get3A_121 = tpu.vector_load %arg11[%get3A_119, %get3A_120] {strides = array<i32>} : memref<40x256xf32, #tpu.memory_space<vmem>>, vector<16xf32>,
        %get3A_122 = arith.index_cast %scan3A_82 : i32 to index
        %get3A_123 = arith.constant 208 : index
        %get3A_124 = tpu.vector_load %arg11[%get3A_122, %get3A_123] {strides = array<i32>} : memref<40x256xf32, #tpu.memory_space<vmem>>, vector<16xf32>,
        %get3A_125 = arith.index_cast %scan3A_82 : i32 to index
        %get3A_126 = arith.constant 224 : index
        %get3A_127 = tpu.vector_load %arg11[%get3A_125, %get3A_126] {strides = array<i32>} : memref<40x256xf32, #tpu.memory_space<vmem>>, vector<16xf32>,
        %get3A_128 = arith.index_cast %scan3A_82 : i32 to index
        %get3A_129 = arith.constant 240 : index
        %get3A_130 = tpu.vector_load %arg11[%get3A_128, %get3A_129] {strides = array<i32>} : memref<40x256xf32, #tpu.memory_space<vmem>>, vector<16xf32>,
        %get3A_131 = arith.index_cast %scan3A_82 : i32 to index
        %get3A_132 = arith.constant 0 : index
        %get3A_133 = tpu.vector_load %arg12[%get3A_131, %get3A_132] {strides = array<i32>} : memref<40x128xf32, #tpu.memory_space<vmem>>, vector<16xf32>,
        %get3A_134 = arith.index_cast %scan3A_82 : i32 to index
        %get3A_135 = arith.constant 16 : index
        %get3A_136 = tpu.vector_load %arg12[%get3A_134, %get3A_135] {strides = array<i32>} : memref<40x128xf32, #tpu.memory_space<vmem>>, vector<16xf32>,
        %get3A_137 = arith.index_cast %scan3A_82 : i32 to index
        %get3A_138 = arith.constant 32 : index
        %get3A_139 = tpu.vector_load %arg12[%get3A_137, %get3A_138] {strides = array<i32>} : memref<40x128xf32, #tpu.memory_space<vmem>>, vector<16xf32>,
        %get3A_140 = arith.index_cast %scan3A_82 : i32 to index
        %get3A_141 = arith.constant 48 : index
        %get3A_142 = tpu.vector_load %arg12[%get3A_140, %get3A_141] {strides = array<i32>} : memref<40x128xf32, #tpu.memory_space<vmem>>, vector<16xf32>,
        %get3A_143 = arith.index_cast %scan3A_82 : i32 to index
        %get3A_144 = arith.constant 64 : index
        %get3A_145 = tpu.vector_load %arg12[%get3A_143, %get3A_144] {strides = array<i32>} : memref<40x128xf32, #tpu.memory_space<vmem>>, vector<16xf32>,
        %get3A_146 = arith.index_cast %scan3A_82 : i32 to index
        %get3A_147 = arith.constant 80 : index
        %get3A_148 = tpu.vector_load %arg12[%get3A_146, %get3A_147] {strides = array<i32>} : memref<40x128xf32, #tpu.memory_space<vmem>>, vector<16xf32>,
        %get3A_149 = arith.index_cast %scan3A_82 : i32 to index
        %get3A_150 = arith.constant 96 : index
        %get3A_151 = tpu.vector_load %arg12[%get3A_149, %get3A_150] {strides = array<i32>} : memref<40x128xf32, #tpu.memory_space<vmem>>, vector<16xf32>,
        %get3A_152 = arith.index_cast %scan3A_82 : i32 to index
        %get3A_153 = arith.constant 112 : index
        %get3A_154 = tpu.vector_load %arg12[%get3A_152, %get3A_153] {strides = array<i32>} : memref<40x128xf32, #tpu.memory_space<vmem>>, vector<16xf32>,
        %mul3A_155 = arith.constant 128 : i32
        %mul3A_156 = arith.muli %scan3A_82, %mul3A_155 : i32
        %add3A_157 = arith.constant 0 : i32
        %add3A_158 = arith.addi %mul3A_156, %add3A_157 : i32
        %get3A_159 = arith.index_cast %add3A_158 : i32 to index
        %get3A_160 = tpu.vector_load %arg13[%get3A_159] {strides = array<i32>} : memref<5120xf32, #tpu.memory_space<vmem>>, vector<16xf32>,
        %mul3A_161 = arith.constant 128 : i32
        %mul3A_162 = arith.muli %scan3A_82, %mul3A_161 : i32
        %add3A_163 = arith.constant 16 : i32
        %add3A_164 = arith.addi %mul3A_162, %add3A_163 : i32
        %get3A_165 = arith.index_cast %add3A_164 : i32 to index
        %get3A_166 = tpu.vector_load %arg13[%get3A_165] {strides = array<i32>} : memref<5120xf32, #tpu.memory_space<vmem>>, vector<16xf32>,
        %mul3A_167 = arith.constant 128 : i32
        %mul3A_168 = arith.muli %scan3A_82, %mul3A_167 : i32
        %add3A_169 = arith.constant 32 : i32
        %add3A_170 = arith.addi %mul3A_168, %add3A_169 : i32
        %get3A_171 = arith.index_cast %add3A_170 : i32 to index
        %get3A_172 = tpu.vector_load %arg13[%get3A_171] {strides = array<i32>} : memref<5120xf32, #tpu.memory_space<vmem>>, vector<16xf32>,
        %mul3A_173 = arith.constant 128 : i32
        %mul3A_174 = arith.muli %scan3A_82, %mul3A_173 : i32
        %add3A_175 = arith.constant 48 : i32
        %add3A_176 = arith.addi %mul3A_174, %add3A_175 : i32
        %get3A_177 = arith.index_cast %add3A_176 : i32 to index
        %get3A_178 = tpu.vector_load %arg13[%get3A_177] {strides = array<i32>} : memref<5120xf32, #tpu.memory_space<vmem>>, vector<16xf32>,
        %mul3A_179 = arith.constant 128 : i32
        %mul3A_180 = arith.muli %scan3A_82, %mul3A_179 : i32
        %add3A_181 = arith.constant 64 : i32
        %add3A_182 = arith.addi %mul3A_180, %add3A_181 : i32
        %get3A_183 = arith.index_cast %add3A_182 : i32 to index
        %get3A_184 = tpu.vector_load %arg13[%get3A_183] {strides = array<i32>} : memref<5120xf32, #tpu.memory_space<vmem>>, vector<16xf32>,
        %mul3A_185 = arith.constant 128 : i32
        %mul3A_186 = arith.muli %scan3A_82, %mul3A_185 : i32
        %add3A_187 = arith.constant 80 : i32
        %add3A_188 = arith.addi %mul3A_186, %add3A_187 : i32
        %get3A_189 = arith.index_cast %add3A_188 : i32 to index
        %get3A_190 = tpu.vector_load %arg13[%get3A_189] {strides = array<i32>} : memref<5120xf32, #tpu.memory_space<vmem>>, vector<16xf32>,
        %mul3A_191 = arith.constant 128 : i32
        %mul3A_192 = arith.muli %scan3A_82, %mul3A_191 : i32
        %add3A_193 = arith.constant 96 : i32
        %add3A_194 = arith.addi %mul3A_192, %add3A_193 : i32
        %get3A_195 = arith.index_cast %add3A_194 : i32 to index
        %get3A_196 = tpu.vector_load %arg13[%get3A_195] {strides = array<i32>} : memref<5120xf32, #tpu.memory_space<vmem>>, vector<16xf32>,
        %mul3A_197 = arith.constant 128 : i32
        %mul3A_198 = arith.muli %scan3A_82, %mul3A_197 : i32
        %add3A_199 = arith.constant 112 : i32
        %add3A_200 = arith.addi %mul3A_198, %add3A_199 : i32
        %get3A_201 = arith.index_cast %add3A_200 : i32 to index
        %get3A_202 = tpu.vector_load %arg13[%get3A_201] {strides = array<i32>} : memref<5120xf32, #tpu.memory_space<vmem>>, vector<16xf32>,
        %add3A_203 = arith.addf %get3A_85, %get3A_160 : vector<16xf32>
        %add3A_204 = arith.addf %get3A_88, %get3A_166 : vector<16xf32>
        %add3A_205 = arith.addf %get3A_91, %get3A_172 : vector<16xf32>
        %add3A_206 = arith.addf %get3A_94, %get3A_178 : vector<16xf32>
        %add3A_207 = arith.addf %get3A_97, %get3A_184 : vector<16xf32>
        %add3A_208 = arith.addf %get3A_100, %get3A_190 : vector<16xf32>
        %add3A_209 = arith.addf %get3A_103, %get3A_196 : vector<16xf32>
        %add3A_210 = arith.addf %get3A_106, %get3A_202 : vector<16xf32>
        %mul3A_211 = arith.mulf %get3A_133, %add3A_203 : vector<16xf32>
        %mul3A_212 = arith.mulf %get3A_136, %add3A_204 : vector<16xf32>
        %add3A_213 = arith.addf %mul3A_211, %mul3A_212 : vector<16xf32>
        %mul3A_214 = arith.mulf %get3A_139, %add3A_205 : vector<16xf32>
        %add3A_215 = arith.addf %add3A_213, %mul3A_214 : vector<16xf32>
        %mul3A_216 = arith.mulf %get3A_142, %add3A_206 : vector<16xf32>
        %add3A_217 = arith.addf %add3A_215, %mul3A_216 : vector<16xf32>
        %mul3A_218 = arith.mulf %get3A_145, %add3A_207 : vector<16xf32>
        %mul3A_219 = arith.mulf %get3A_148, %add3A_208 : vector<16xf32>
        %add3A_220 = arith.addf %mul3A_218, %mul3A_219 : vector<16xf32>
        %mul3A_221 = arith.mulf %get3A_151, %add3A_209 : vector<16xf32>
        %add3A_222 = arith.addf %add3A_220, %mul3A_221 : vector<16xf32>
        %mul3A_223 = arith.mulf %get3A_154, %add3A_210 : vector<16xf32>
        %add3A_224 = arith.addf %add3A_222, %mul3A_223 : vector<16xf32>
        %reduce_sum3A = arith.constant true
        %reduce_sum3A_225 = vector.broadcast %reduce_sum3A : i1 to vector<16xi1>
        %reduce_sum3A_226 = tpu.scan <sum>, %add3A_217 masked %reduce_sum3A_225 : vector<16xf32>, vector<16xi1> -> vector<16xf32>
        %reduce_sum3A_227 = vector.extract %reduce_sum3A_226[15] : f32 from vector<16xf32>
        %mul3A_228 = arith.constant 1.250000e-01 : f32
        %mul3A_229 = arith.mulf %reduce_sum3A_227, %mul3A_228 : f32
        %reduce_sum3A_230 = arith.constant true
        %reduce_sum3A_231 = vector.broadcast %reduce_sum3A_230 : i1 to vector<16xi1>
        %reduce_sum3A_232 = tpu.scan <sum>, %add3A_224 masked %reduce_sum3A_231 : vector<16xf32>, vector<16xi1> -> vector<16xf32>
        %reduce_sum3A_233 = vector.extract %reduce_sum3A_232[15] : f32 from vector<16xf32>
        %mul3A_234 = arith.constant 1.250000e-01 : f32
        %mul3A_235 = arith.mulf %reduce_sum3A_233, %mul3A_234 : f32
        %broadcast_in_dim3A = vector.broadcast %mul3A_229 : f32 to vector<16xf32>
        %exp3A = math.exp %broadcast_in_dim3A : vector<16xf32>
        %broadcast_in_dim3A_236 = vector.broadcast %mul3A_235 : f32 to vector<16xf32>
        %exp3A_237 = math.exp %broadcast_in_dim3A_236 : vector<16xf32>
        %add3A_238 = arith.addf %get3A_109, %get3A_160 : vector<16xf32>
        %mul3A_239 = arith.mulf %exp3A, %add3A_238 : vector<16xf32>
        %swap3A = arith.index_cast %scan3A_82 : i32 to index
        %swap3A_240 = arith.constant 0 : index
        %swap3A_241 = tpu.vector_load %arg14[%swap3A, %swap3A_240] {strides = array<i32>} : memref<40x144xf32, #tpu.memory_space<vmem>>, vector<16xf32>,
        tpu.vector_store %arg14[%swap3A, %swap3A_240], %mul3A_239 {strides = array<i32>} : memref<40x144xf32, #tpu.memory_space<vmem>>, vector<16xf32>,
        %add3A_242 = arith.addf %get3A_112, %get3A_166 : vector<16xf32>
        %mul3A_243 = arith.mulf %exp3A, %add3A_242 : vector<16xf32>
        %swap3A_244 = arith.index_cast %scan3A_82 : i32 to index
        %swap3A_245 = arith.constant 16 : index
        %swap3A_246 = tpu.vector_load %arg14[%swap3A_244, %swap3A_245] {strides = array<i32>} : memref<40x144xf32, #tpu.memory_space<vmem>>, vector<16xf32>,
        tpu.vector_store %arg14[%swap3A_244, %swap3A_245], %mul3A_243 {strides = array<i32>} : memref<40x144xf32, #tpu.memory_space<vmem>>, vector<16xf32>,
        %add3A_247 = arith.addf %get3A_115, %get3A_172 : vector<16xf32>
        %mul3A_248 = arith.mulf %exp3A, %add3A_247 : vector<16xf32>
        %swap3A_249 = arith.index_cast %scan3A_82 : i32 to index
        %swap3A_250 = arith.constant 32 : index
        %swap3A_251 = tpu.vector_load %arg14[%swap3A_249, %swap3A_250] {strides = array<i32>} : memref<40x144xf32, #tpu.memory_space<vmem>>, vector<16xf32>,
        tpu.vector_store %arg14[%swap3A_249, %swap3A_250], %mul3A_248 {strides = array<i32>} : memref<40x144xf32, #tpu.memory_space<vmem>>, vector<16xf32>,
        %add3A_252 = arith.addf %get3A_118, %get3A_178 : vector<16xf32>
        %mul3A_253 = arith.mulf %exp3A, %add3A_252 : vector<16xf32>
        %swap3A_254 = arith.index_cast %scan3A_82 : i32 to index
        %swap3A_255 = arith.constant 48 : index
        %swap3A_256 = tpu.vector_load %arg14[%swap3A_254, %swap3A_255] {strides = array<i32>} : memref<40x144xf32, #tpu.memory_space<vmem>>, vector<16xf32>,
        tpu.vector_store %arg14[%swap3A_254, %swap3A_255], %mul3A_253 {strides = array<i32>} : memref<40x144xf32, #tpu.memory_space<vmem>>, vector<16xf32>,
        %add3A_257 = arith.addf %get3A_121, %get3A_184 : vector<16xf32>
        %mul3A_258 = arith.mulf %exp3A_237, %add3A_257 : vector<16xf32>
        %swap3A_259 = arith.index_cast %scan3A_82 : i32 to index
        %swap3A_260 = arith.constant 64 : index
        %swap3A_261 = tpu.vector_load %arg14[%swap3A_259, %swap3A_260] {strides = array<i32>} : memref<40x144xf32, #tpu.memory_space<vmem>>, vector<16xf32>,
        tpu.vector_store %arg14[%swap3A_259, %swap3A_260], %mul3A_258 {strides = array<i32>} : memref<40x144xf32, #tpu.memory_space<vmem>>, vector<16xf32>,
        %add3A_262 = arith.addf %get3A_124, %get3A_190 : vector<16xf32>
        %mul3A_263 = arith.mulf %exp3A_237, %add3A_262 : vector<16xf32>
        %swap3A_264 = arith.index_cast %scan3A_82 : i32 to index
        %swap3A_265 = arith.constant 80 : index
        %swap3A_266 = tpu.vector_load %arg14[%swap3A_264, %swap3A_265] {strides = array<i32>} : memref<40x144xf32, #tpu.memory_space<vmem>>, vector<16xf32>,
        tpu.vector_store %arg14[%swap3A_264, %swap3A_265], %mul3A_263 {strides = array<i32>} : memref<40x144xf32, #tpu.memory_space<vmem>>, vector<16xf32>,
        %add3A_267 = arith.addf %get3A_127, %get3A_196 : vector<16xf32>
        %mul3A_268 = arith.mulf %exp3A_237, %add3A_267 : vector<16xf32>
        %swap3A_269 = arith.index_cast %scan3A_82 : i32 to index
        %swap3A_270 = arith.constant 96 : index
        %swap3A_271 = tpu.vector_load %arg14[%swap3A_269, %swap3A_270] {strides = array<i32>} : memref<40x144xf32, #tpu.memory_space<vmem>>, vector<16xf32>,
        tpu.vector_store %arg14[%swap3A_269, %swap3A_270], %mul3A_268 {strides = array<i32>} : memref<40x144xf32, #tpu.memory_space<vmem>>, vector<16xf32>,
        %add3A_272 = arith.addf %get3A_130, %get3A_202 : vector<16xf32>
        %mul3A_273 = arith.mulf %exp3A_237, %add3A_272 : vector<16xf32>
        %swap3A_274 = arith.index_cast %scan3A_82 : i32 to index
        %swap3A_275 = arith.constant 112 : index
        %swap3A_276 = tpu.vector_load %arg14[%swap3A_274, %swap3A_275] {strides = array<i32>} : memref<40x144xf32, #tpu.memory_space<vmem>>, vector<16xf32>,
        tpu.vector_store %arg14[%swap3A_274, %swap3A_275], %mul3A_273 {strides = array<i32>} : memref<40x144xf32, #tpu.memory_space<vmem>>, vector<16xf32>,
        %iota3A = tpu.iota {dimensions = array<i32: 0>} : vector<16xi32>
        %broadcast_in_dim3A_277 = arith.constant 0.000000e+00 : f32
        %broadcast_in_dim3A_278 = vector.broadcast %broadcast_in_dim3A_277 : f32 to vector<16xf32>
        %eq3A = arith.constant 0 : i32
        %eq3A_279 = vector.broadcast %eq3A : i32 to vector<16xi32>
        %eq3A_280 = arith.cmpi eq, %iota3A, %eq3A_279 : vector<16xi32>
        %eq3A_281 = arith.constant 1 : i32
        %eq3A_282 = vector.broadcast %eq3A_281 : i32 to vector<16xi32>
        %eq3A_283 = arith.cmpi eq, %iota3A, %eq3A_282 : vector<16xi32>
        %select_n3A = arith.select %eq3A_283, %exp3A_237, %broadcast_in_dim3A_278 : vector<16xi1>, vector<16xf32>
        %select_n3A_284 = arith.select %eq3A_280, %exp3A, %select_n3A : vector<16xi1>, vector<16xf32>
        %swap3A_285 = arith.index_cast %scan3A_82 : i32 to index
        %swap3A_286 = arith.constant 128 : index
        %swap3A_287 = tpu.vector_load %arg14[%swap3A_285, %swap3A_286] {strides = array<i32>} : memref<40x144xf32, #tpu.memory_space<vmem>>, vector<16xf32>,
        tpu.vector_store %arg14[%swap3A_285, %swap3A_286], %select_n3A_284 {strides = array<i32>} : memref<40x144xf32, #tpu.memory_space<vmem>>, vector<16xf32>,
        %scan3A_288 = arith.constant 0 : i32
        %scan3A_289 = arith.constant 1 : i32
        %scan3A_290 = arith.addi %scan3A_82, %scan3A_289 : i32
        %get3A_291 = arith.index_cast %scan3A_290 : i32 to index
        %get3A_292 = arith.constant 0 : index
        %get3A_293 = tpu.vector_load %arg11[%get3A_291, %get3A_292] {strides = array<i32>} : memref<40x256xf32, #tpu.memory_space<vmem>>, vector<16xf32>,
        %get3A_294 = arith.index_cast %scan3A_290 : i32 to index
        %get3A_295 = arith.constant 16 : index
        %get3A_296 = tpu.vector_load %arg11[%get3A_294, %get3A_295] {strides = array<i32>} : memref<40x256xf32, #tpu.memory_space<vmem>>, vector<16xf32>,
        %get3A_297 = arith.index_cast %scan3A_290 : i32 to index
        %get3A_298 = arith.constant 32 : index
        %get3A_299 = tpu.vector_load %arg11[%get3A_297, %get3A_298] {strides = array<i32>} : memref<40x256xf32, #tpu.memory_space<vmem>>, vector<16xf32>,
        %get3A_300 = arith.index_cast %scan3A_290 : i32 to index
        %get3A_301 = arith.constant 48 : index
        %get3A_302 = tpu.vector_load %arg11[%get3A_300, %get3A_301] {strides = array<i32>} : memref<40x256xf32, #tpu.memory_space<vmem>>, vector<16xf32>,
        %get3A_303 = arith.index_cast %scan3A_290 : i32 to index
        %get3A_304 = arith.constant 64 : index
        %get3A_305 = tpu.vector_load %arg11[%get3A_303, %get3A_304] {strides = array<i32>} : memref<40x256xf32, #tpu.memory_space<vmem>>, vector<16xf32>,
        %get3A_306 = arith.index_cast %scan3A_290 : i32 to index
        %get3A_307 = arith.constant 80 : index
        %get3A_308 = tpu.vector_load %arg11[%get3A_306, %get3A_307] {strides = array<i32>} : memref<40x256xf32, #tpu.memory_space<vmem>>, vector<16xf32>,
        %get3A_309 = arith.index_cast %scan3A_290 : i32 to index
        %get3A_310 = arith.constant 96 : index
        %get3A_311 = tpu.vector_load %arg11[%get3A_309, %get3A_310] {strides = array<i32>} : memref<40x256xf32, #tpu.memory_space<vmem>>, vector<16xf32>,
        %get3A_312 = arith.index_cast %scan3A_290 : i32 to index
        %get3A_313 = arith.constant 112 : index
        %get3A_314 = tpu.vector_load %arg11[%get3A_312, %get3A_313] {strides = array<i32>} : memref<40x256xf32, #tpu.memory_space<vmem>>, vector<16xf32>,
        %get3A_315 = arith.index_cast %scan3A_290 : i32 to index
        %get3A_316 = arith.constant 128 : index
        %get3A_317 = tpu.vector_load %arg11[%get3A_315, %get3A_316] {strides = array<i32>} : memref<40x256xf32, #tpu.memory_space<vmem>>, vector<16xf32>,
        %get3A_318 = arith.index_cast %scan3A_290 : i32 to index
        %get3A_319 = arith.constant 144 : index
        %get3A_320 = tpu.vector_load %arg11[%get3A_318, %get3A_319] {strides = array<i32>} : memref<40x256xf32, #tpu.memory_space<vmem>>, vector<16xf32>,
        %get3A_321 = arith.index_cast %scan3A_290 : i32 to index
        %get3A_322 = arith.constant 160 : index
        %get3A_323 = tpu.vector_load %arg11[%get3A_321, %get3A_322] {strides = array<i32>} : memref<40x256xf32, #tpu.memory_space<vmem>>, vector<16xf32>,
        %get3A_324 = arith.index_cast %scan3A_290 : i32 to index
        %get3A_325 = arith.constant 176 : index
        %get3A_326 = tpu.vector_load %arg11[%get3A_324, %get3A_325] {strides = array<i32>} : memref<40x256xf32, #tpu.memory_space<vmem>>, vector<16xf32>,
        %get3A_327 = arith.index_cast %scan3A_290 : i32 to index
        %get3A_328 = arith.constant 192 : index
        %get3A_329 = tpu.vector_load %arg11[%get3A_327, %get3A_328] {strides = array<i32>} : memref<40x256xf32, #tpu.memory_space<vmem>>, vector<16xf32>,
        %get3A_330 = arith.index_cast %scan3A_290 : i32 to index
        %get3A_331 = arith.constant 208 : index
        %get3A_332 = tpu.vector_load %arg11[%get3A_330, %get3A_331] {strides = array<i32>} : memref<40x256xf32, #tpu.memory_space<vmem>>, vector<16xf32>,
        %get3A_333 = arith.index_cast %scan3A_290 : i32 to index
        %get3A_334 = arith.constant 224 : index
        %get3A_335 = tpu.vector_load %arg11[%get3A_333, %get3A_334] {strides = array<i32>} : memref<40x256xf32, #tpu.memory_space<vmem>>, vector<16xf32>,
        %get3A_336 = arith.index_cast %scan3A_290 : i32 to index
        %get3A_337 = arith.constant 240 : index
        %get3A_338 = tpu.vector_load %arg11[%get3A_336, %get3A_337] {strides = array<i32>} : memref<40x256xf32, #tpu.memory_space<vmem>>, vector<16xf32>,
        %get3A_339 = arith.index_cast %scan3A_290 : i32 to index
        %get3A_340 = arith.constant 0 : index
        %get3A_341 = tpu.vector_load %arg12[%get3A_339, %get3A_340] {strides = array<i32>} : memref<40x128xf32, #tpu.memory_space<vmem>>, vector<16xf32>,
        %get3A_342 = arith.index_cast %scan3A_290 : i32 to index
        %get3A_343 = arith.constant 16 : index
        %get3A_344 = tpu.vector_load %arg12[%get3A_342, %get3A_343] {strides = array<i32>} : memref<40x128xf32, #tpu.memory_space<vmem>>, vector<16xf32>,
        %get3A_345 = arith.index_cast %scan3A_290 : i32 to index
        %get3A_346 = arith.constant 32 : index
        %get3A_347 = tpu.vector_load %arg12[%get3A_345, %get3A_346] {strides = array<i32>} : memref<40x128xf32, #tpu.memory_space<vmem>>, vector<16xf32>,
        %get3A_348 = arith.index_cast %scan3A_290 : i32 to index
        %get3A_349 = arith.constant 48 : index
        %get3A_350 = tpu.vector_load %arg12[%get3A_348, %get3A_349] {strides = array<i32>} : memref<40x128xf32, #tpu.memory_space<vmem>>, vector<16xf32>,
        %get3A_351 = arith.index_cast %scan3A_290 : i32 to index
        %get3A_352 = arith.constant 64 : index
        %get3A_353 = tpu.vector_load %arg12[%get3A_351, %get3A_352] {strides = array<i32>} : memref<40x128xf32, #tpu.memory_space<vmem>>, vector<16xf32>,
        %get3A_354 = arith.index_cast %scan3A_290 : i32 to index
        %get3A_355 = arith.constant 80 : index
        %get3A_356 = tpu.vector_load %arg12[%get3A_354, %get3A_355] {strides = array<i32>} : memref<40x128xf32, #tpu.memory_space<vmem>>, vector<16xf32>,
        %get3A_357 = arith.index_cast %scan3A_290 : i32 to index
        %get3A_358 = arith.constant 96 : index
        %get3A_359 = tpu.vector_load %arg12[%get3A_357, %get3A_358] {strides = array<i32>} : memref<40x128xf32, #tpu.memory_space<vmem>>, vector<16xf32>,
        %get3A_360 = arith.index_cast %scan3A_290 : i32 to index
        %get3A_361 = arith.constant 112 : index
        %get3A_362 = tpu.vector_load %arg12[%get3A_360, %get3A_361] {strides = array<i32>} : memref<40x128xf32, #tpu.memory_space<vmem>>, vector<16xf32>,
        %mul3A_363 = arith.constant 128 : i32
        %mul3A_364 = arith.muli %scan3A_290, %mul3A_363 : i32
        %add3A_365 = arith.constant 0 : i32
        %add3A_366 = arith.addi %mul3A_364, %add3A_365 : i32
        %get3A_367 = arith.index_cast %add3A_366 : i32 to index
        %get3A_368 = tpu.vector_load %arg13[%get3A_367] {strides = array<i32>} : memref<5120xf32, #tpu.memory_space<vmem>>, vector<16xf32>,
        %mul3A_369 = arith.constant 128 : i32
        %mul3A_370 = arith.muli %scan3A_290, %mul3A_369 : i32
        %add3A_371 = arith.constant 16 : i32
        %add3A_372 = arith.addi %mul3A_370, %add3A_371 : i32
        %get3A_373 = arith.index_cast %add3A_372 : i32 to index
        %get3A_374 = tpu.vector_load %arg13[%get3A_373] {strides = array<i32>} : memref<5120xf32, #tpu.memory_space<vmem>>, vector<16xf32>,
        %mul3A_375 = arith.constant 128 : i32
        %mul3A_376 = arith.muli %scan3A_290, %mul3A_375 : i32
        %add3A_377 = arith.constant 32 : i32
        %add3A_378 = arith.addi %mul3A_376, %add3A_377 : i32
        %get3A_379 = arith.index_cast %add3A_378 : i32 to index
        %get3A_380 = tpu.vector_load %arg13[%get3A_379] {strides = array<i32>} : memref<5120xf32, #tpu.memory_space<vmem>>, vector<16xf32>,
        %mul3A_381 = arith.constant 128 : i32
        %mul3A_382 = arith.muli %scan3A_290, %mul3A_381 : i32
        %add3A_383 = arith.constant 48 : i32
        %add3A_384 = arith.addi %mul3A_382, %add3A_383 : i32
        %get3A_385 = arith.index_cast %add3A_384 : i32 to index
        %get3A_386 = tpu.vector_load %arg13[%get3A_385] {strides = array<i32>} : memref<5120xf32, #tpu.memory_space<vmem>>, vector<16xf32>,
        %mul3A_387 = arith.constant 128 : i32
        %mul3A_388 = arith.muli %scan3A_290, %mul3A_387 : i32
        %add3A_389 = arith.constant 64 : i32
        %add3A_390 = arith.addi %mul3A_388, %add3A_389 : i32
        %get3A_391 = arith.index_cast %add3A_390 : i32 to index
        %get3A_392 = tpu.vector_load %arg13[%get3A_391] {strides = array<i32>} : memref<5120xf32, #tpu.memory_space<vmem>>, vector<16xf32>,
        %mul3A_393 = arith.constant 128 : i32
        %mul3A_394 = arith.muli %scan3A_290, %mul3A_393 : i32
        %add3A_395 = arith.constant 80 : i32
        %add3A_396 = arith.addi %mul3A_394, %add3A_395 : i32
        %get3A_397 = arith.index_cast %add3A_396 : i32 to index
        %get3A_398 = tpu.vector_load %arg13[%get3A_397] {strides = array<i32>} : memref<5120xf32, #tpu.memory_space<vmem>>, vector<16xf32>,
        %mul3A_399 = arith.constant 128 : i32
        %mul3A_400 = arith.muli %scan3A_290, %mul3A_399 : i32
        %add3A_401 = arith.constant 96 : i32
        %add3A_402 = arith.addi %mul3A_400, %add3A_401 : i32
        %get3A_403 = arith.index_cast %add3A_402 : i32 to index
        %get3A_404 = tpu.vector_load %arg13[%get3A_403] {strides = array<i32>} : memref<5120xf32, #tpu.memory_space<vmem>>, vector<16xf32>,
        %mul3A_405 = arith.constant 128 : i32
        %mul3A_406 = arith.muli %scan3A_290, %mul3A_405 : i32
        %add3A_407 = arith.constant 112 : i32
        %add3A_408 = arith.addi %mul3A_406, %add3A_407 : i32
        %get3A_409 = arith.index_cast %add3A_408 : i32 to index
        %get3A_410 = tpu.vector_load %arg13[%get3A_409] {strides = array<i32>} : memref<5120xf32, #tpu.memory_space<vmem>>, vector<16xf32>,
        %add3A_411 = arith.addf %get3A_293, %get3A_368 : vector<16xf32>
        %add3A_412 = arith.addf %get3A_296, %get3A_374 : vector<16xf32>
        %add3A_413 = arith.addf %get3A_299, %get3A_380 : vector<16xf32>
        %add3A_414 = arith.addf %get3A_302, %get3A_386 : vector<16xf32>
        %add3A_415 = arith.addf %get3A_305, %get3A_392 : vector<16xf32>
        %add3A_416 = arith.addf %get3A_308, %get3A_398 : vector<16xf32>
        %add3A_417 = arith.addf %get3A_311, %get3A_404 : vector<16xf32>
        %add3A_418 = arith.addf %get3A_314, %get3A_410 : vector<16xf32>
        %mul3A_419 = arith.mulf %get3A_341, %add3A_411 : vector<16xf32>
        %mul3A_420 = arith.mulf %get3A_344, %add3A_412 : vector<16xf32>
        %add3A_421 = arith.addf %mul3A_419, %mul3A_420 : vector<16xf32>
        %mul3A_422 = arith.mulf %get3A_347, %add3A_413 : vector<16xf32>
        %add3A_423 = arith.addf %add3A_421, %mul3A_422 : vector<16xf32>
        %mul3A_424 = arith.mulf %get3A_350, %add3A_414 : vector<16xf32>
        %add3A_425 = arith.addf %add3A_423, %mul3A_424 : vector<16xf32>
        %mul3A_426 = arith.mulf %get3A_353, %add3A_415 : vector<16xf32>
        %mul3A_427 = arith.mulf %get3A_356, %add3A_416 : vector<16xf32>
        %add3A_428 = arith.addf %mul3A_426, %mul3A_427 : vector<16xf32>
        %mul3A_429 = arith.mulf %get3A_359, %add3A_417 : vector<16xf32>
        %add3A_430 = arith.addf %add3A_428, %mul3A_429 : vector<16xf32>
        %mul3A_431 = arith.mulf %get3A_362, %add3A_418 : vector<16xf32>
        %add3A_432 = arith.addf %add3A_430, %mul3A_431 : vector<16xf32>
        %reduce_sum3A_433 = arith.constant true
        %reduce_sum3A_434 = vector.broadcast %reduce_sum3A_433 : i1 to vector<16xi1>
        %reduce_sum3A_435 = tpu.scan <sum>, %add3A_425 masked %reduce_sum3A_434 : vector<16xf32>, vector<16xi1> -> vector<16xf32>
        %reduce_sum3A_436 = vector.extract %reduce_sum3A_435[15] : f32 from vector<16xf32>
        %mul3A_437 = arith.constant 1.250000e-01 : f32
        %mul3A_438 = arith.mulf %reduce_sum3A_436, %mul3A_437 : f32
        %reduce_sum3A_439 = arith.constant true
        %reduce_sum3A_440 = vector.broadcast %reduce_sum3A_439 : i1 to vector<16xi1>
        %reduce_sum3A_441 = tpu.scan <sum>, %add3A_432 masked %reduce_sum3A_440 : vector<16xf32>, vector<16xi1> -> vector<16xf32>
        %reduce_sum3A_442 = vector.extract %reduce_sum3A_441[15] : f32 from vector<16xf32>
        %mul3A_443 = arith.constant 1.250000e-01 : f32
        %mul3A_444 = arith.mulf %reduce_sum3A_442, %mul3A_443 : f32
        %broadcast_in_dim3A_445 = vector.broadcast %mul3A_438 : f32 to vector<16xf32>
        %exp3A_446 = math.exp %broadcast_in_dim3A_445 : vector<16xf32>
        %broadcast_in_dim3A_447 = vector.broadcast %mul3A_444 : f32 to vector<16xf32>
        %exp3A_448 = math.exp %broadcast_in_dim3A_447 : vector<16xf32>
        %add3A_449 = arith.addf %get3A_317, %get3A_368 : vector<16xf32>
        %mul3A_450 = arith.mulf %exp3A_446, %add3A_449 : vector<16xf32>
        %swap3A_451 = arith.index_cast %scan3A_290 : i32 to index
        %swap3A_452 = arith.constant 0 : index
        %swap3A_453 = tpu.vector_load %arg14[%swap3A_451, %swap3A_452] {strides = array<i32>} : memref<40x144xf32, #tpu.memory_space<vmem>>, vector<16xf32>,
        tpu.vector_store %arg14[%swap3A_451, %swap3A_452], %mul3A_450 {strides = array<i32>} : memref<40x144xf32, #tpu.memory_space<vmem>>, vector<16xf32>,
        %add3A_454 = arith.addf %get3A_320, %get3A_374 : vector<16xf32>
        %mul3A_455 = arith.mulf %exp3A_446, %add3A_454 : vector<16xf32>
        %swap3A_456 = arith.index_cast %scan3A_290 : i32 to index
        %swap3A_457 = arith.constant 16 : index
        %swap3A_458 = tpu.vector_load %arg14[%swap3A_456, %swap3A_457] {strides = array<i32>} : memref<40x144xf32, #tpu.memory_space<vmem>>, vector<16xf32>,
        tpu.vector_store %arg14[%swap3A_456, %swap3A_457], %mul3A_455 {strides = array<i32>} : memref<40x144xf32, #tpu.memory_space<vmem>>, vector<16xf32>,
        %add3A_459 = arith.addf %get3A_323, %get3A_380 : vector<16xf32>
        %mul3A_460 = arith.mulf %exp3A_446, %add3A_459 : vector<16xf32>
        %swap3A_461 = arith.index_cast %scan3A_290 : i32 to index
        %swap3A_462 = arith.constant 32 : index
        %swap3A_463 = tpu.vector_load %arg14[%swap3A_461, %swap3A_462] {strides = array<i32>} : memref<40x144xf32, #tpu.memory_space<vmem>>, vector<16xf32>,
        tpu.vector_store %arg14[%swap3A_461, %swap3A_462], %mul3A_460 {strides = array<i32>} : memref<40x144xf32, #tpu.memory_space<vmem>>, vector<16xf32>,
        %add3A_464 = arith.addf %get3A_326, %get3A_386 : vector<16xf32>
        %mul3A_465 = arith.mulf %exp3A_446, %add3A_464 : vector<16xf32>
        %swap3A_466 = arith.index_cast %scan3A_290 : i32 to index
        %swap3A_467 = arith.constant 48 : index
        %swap3A_468 = tpu.vector_load %arg14[%swap3A_466, %swap3A_467] {strides = array<i32>} : memref<40x144xf32, #tpu.memory_space<vmem>>, vector<16xf32>,
        tpu.vector_store %arg14[%swap3A_466, %swap3A_467], %mul3A_465 {strides = array<i32>} : memref<40x144xf32, #tpu.memory_space<vmem>>, vector<16xf32>,
        %add3A_469 = arith.addf %get3A_329, %get3A_392 : vector<16xf32>
        %mul3A_470 = arith.mulf %exp3A_448, %add3A_469 : vector<16xf32>
        %swap3A_471 = arith.index_cast %scan3A_290 : i32 to index
        %swap3A_472 = arith.constant 64 : index
        %swap3A_473 = tpu.vector_load %arg14[%swap3A_471, %swap3A_472] {strides = array<i32>} : memref<40x144xf32, #tpu.memory_space<vmem>>, vector<16xf32>,
        tpu.vector_store %arg14[%swap3A_471, %swap3A_472], %mul3A_470 {strides = array<i32>} : memref<40x144xf32, #tpu.memory_space<vmem>>, vector<16xf32>,
        %add3A_474 = arith.addf %get3A_332, %get3A_398 : vector<16xf32>
        %mul3A_475 = arith.mulf %exp3A_448, %add3A_474 : vector<16xf32>
        %swap3A_476 = arith.index_cast %scan3A_290 : i32 to index
        %swap3A_477 = arith.constant 80 : index
        %swap3A_478 = tpu.vector_load %arg14[%swap3A_476, %swap3A_477] {strides = array<i32>} : memref<40x144xf32, #tpu.memory_space<vmem>>, vector<16xf32>,
        tpu.vector_store %arg14[%swap3A_476, %swap3A_477], %mul3A_475 {strides = array<i32>} : memref<40x144xf32, #tpu.memory_space<vmem>>, vector<16xf32>,
        %add3A_479 = arith.addf %get3A_335, %get3A_404 : vector<16xf32>
        %mul3A_480 = arith.mulf %exp3A_448, %add3A_479 : vector<16xf32>
        %swap3A_481 = arith.index_cast %scan3A_290 : i32 to index
        %swap3A_482 = arith.constant 96 : index
        %swap3A_483 = tpu.vector_load %arg14[%swap3A_481, %swap3A_482] {strides = array<i32>} : memref<40x144xf32, #tpu.memory_space<vmem>>, vector<16xf32>,
        tpu.vector_store %arg14[%swap3A_481, %swap3A_482], %mul3A_480 {strides = array<i32>} : memref<40x144xf32, #tpu.memory_space<vmem>>, vector<16xf32>,
        %add3A_484 = arith.addf %get3A_338, %get3A_410 : vector<16xf32>
        %mul3A_485 = arith.mulf %exp3A_448, %add3A_484 : vector<16xf32>
        %swap3A_486 = arith.index_cast %scan3A_290 : i32 to index
        %swap3A_487 = arith.constant 112 : index
        %swap3A_488 = tpu.vector_load %arg14[%swap3A_486, %swap3A_487] {strides = array<i32>} : memref<40x144xf32, #tpu.memory_space<vmem>>, vector<16xf32>,
        tpu.vector_store %arg14[%swap3A_486, %swap3A_487], %mul3A_485 {strides = array<i32>} : memref<40x144xf32, #tpu.memory_space<vmem>>, vector<16xf32>,
        %iota3A_489 = tpu.iota {dimensions = array<i32: 0>} : vector<16xi32>
        %broadcast_in_dim3A_490 = arith.constant 0.000000e+00 : f32
        %broadcast_in_dim3A_491 = vector.broadcast %broadcast_in_dim3A_490 : f32 to vector<16xf32>
        %eq3A_492 = arith.constant 0 : i32
        %eq3A_493 = vector.broadcast %eq3A_492 : i32 to vector<16xi32>
        %eq3A_494 = arith.cmpi eq, %iota3A_489, %eq3A_493 : vector<16xi32>
        %eq3A_495 = arith.constant 1 : i32
        %eq3A_496 = vector.broadcast %eq3A_495 : i32 to vector<16xi32>
        %eq3A_497 = arith.cmpi eq, %iota3A_489, %eq3A_496 : vector<16xi32>
        %select_n3A_498 = arith.select %eq3A_497, %exp3A_448, %broadcast_in_dim3A_491 : vector<16xi1>, vector<16xf32>
        %select_n3A_499 = arith.select %eq3A_494, %exp3A_446, %select_n3A_498 : vector<16xi1>, vector<16xf32>
        %swap3A_500 = arith.index_cast %scan3A_290 : i32 to index
        %swap3A_501 = arith.constant 128 : index
        %swap3A_502 = tpu.vector_load %arg14[%swap3A_500, %swap3A_501] {strides = array<i32>} : memref<40x144xf32, #tpu.memory_space<vmem>>, vector<16xf32>,
        tpu.vector_store %arg14[%swap3A_500, %swap3A_501], %select_n3A_499 {strides = array<i32>} : memref<40x144xf32, #tpu.memory_space<vmem>>, vector<16xf32>,
        %scan3A_503 = arith.constant 0 : i32
        scf.yield %scan3A_503 : i32
      }
      %scan3A_77 = arith.constant 40 : i32
      %dma_start3A_78 = arith.constant 0 : i32
      %dma_start3A_79 = arith.constant 0 : i32
      %dma_start3A_80 = tpu.memref_slice %arg8[%dma_start3A_78, %dma_start3A_79] : memref<10000x144xf32, #tpu.memory_space<vmem_shared>> -> memref<10000x144xf32, #tpu.memory_space<vmem_shared>>
      tpu.enqueue_indirect_dma source(%arg14 : memref<40x144xf32, #tpu.memory_space<vmem>>) target(%dma_start3A_80 : memref<10000x144xf32, #tpu.memory_space<vmem_shared>>) offsets(%arg10 : memref<40xi32, #tpu.memory_space<vmem>>) semaphore(%arg20 : memref<!tpu.dma_semaphore, #tpu.memory_space<semaphore_mem>>) {add = true}
      %scan3A_81 = arith.constant 0 : i32
      scf.yield %scan3A_81 : i32
    }
    %scan3A_26 = arith.constant 250 : i32
    %dma_wait3A = arith.constant 0 : i32
    %dma_wait3A_27 = arith.constant 0 : i32
    %dma_wait3A_28 = tpu.memref_slice %arg8[%dma_wait3A, %dma_wait3A_27] : memref<10000x144xf32, #tpu.memory_space<vmem_shared>> -> memref<10000x144xf32, #tpu.memory_space<vmem_shared>>
    tpu.wait_indirect_dma semaphore(%arg20 : memref<!tpu.dma_semaphore, #tpu.memory_space<semaphore_mem>>) src(%arg14 : memref<40x144xf32, #tpu.memory_space<vmem>>) dst(%dma_wait3A_28 : memref<10000x144xf32, #tpu.memory_space<vmem_shared>>)
    %barrier3A_29 = arith.constant 0 : index
    tpu.barrier barrier_id(%barrier3A_29)
    %scan3A_30 = arith.constant 0 : i32
    %scan3A_31 = arith.constant 0 : i32
    %scan3A_32 = arith.constant 15 : i32
    %scan3A_33 = arith.addi %scan3A_31, %scan3A_32 : i32
    %scan3A_34 = arith.constant 1 : i32
    %scan3A_35 = scf.for %scan3A_39 = %scan3A_31 to %scan3A_33 step %scan3A_34 iter_args(%scan3A_40 = %scan3A_30) -> (i32)  : i32 {
      %mul3A_41 = arith.constant 40 : i32
      %mul3A_42 = arith.muli %scan3A_39, %mul3A_41 : i32
      %add3A_43 = arith.addi %mul3A_6, %mul3A_42 : i32
      "tpu.region"() ({
        %run_scoped3A = tpu.sem_alloc : memref<!tpu.dma_semaphore, #tpu.memory_space<semaphore_mem>>
        %dma_start3A = arith.constant 0 : i32
        %dma_start3A_48 = tpu.memref_slice %arg8[%add3A_43, %dma_start3A] : memref<10000x144xf32, #tpu.memory_space<vmem_shared>> -> memref<40x144xf32, #tpu.memory_space<vmem_shared>>
        %dma_start3A_49 = arith.constant 0 : i32
        %dma_start3A_50 = tpu.memref_slice %arg8[%add3A_43, %dma_start3A_49] : memref<10000x144xf32, #tpu.memory_space<vmem_shared>> -> memref<40x144xf32, #tpu.memory_space<vmem_shared>>
        tpu.enqueue_dma source(%dma_start3A_50 : memref<40x144xf32, #tpu.memory_space<vmem_shared>>) target(%arg14 : memref<40x144xf32, #tpu.memory_space<vmem>>) target_semaphore(%run_scoped3A : memref<!tpu.dma_semaphore, #tpu.memory_space<semaphore_mem>>)
        %dma_wait3A_51 = arith.constant 0 : i32
        %dma_wait3A_52 = tpu.memref_slice %arg8[%add3A_43, %dma_wait3A_51] : memref<10000x144xf32, #tpu.memory_space<vmem_shared>> -> memref<40x144xf32, #tpu.memory_space<vmem_shared>>
        %dma_wait3A_53 = arith.constant 0 : i32
        %dma_wait3A_54 = tpu.memref_slice %arg8[%add3A_43, %dma_wait3A_53] : memref<10000x144xf32, #tpu.memory_space<vmem_shared>> -> memref<40x144xf32, #tpu.memory_space<vmem_shared>>
        tpu.wait_dma2 semaphore(%run_scoped3A : memref<!tpu.dma_semaphore, #tpu.memory_space<semaphore_mem>>) src(%dma_wait3A_54 : memref<40x144xf32, #tpu.memory_space<vmem_shared>>) dst(%arg14 : memref<40x144xf32, #tpu.memory_space<vmem>>)
        tpu.yield
      }) : () -> ()
      %mul3A_44 = arith.constant 40 : i32
      %mul3A_45 = arith.muli %scan3A_39, %mul3A_44 : i32
      %add3A_46 = arith.addi %mul3A_6, %mul3A_45 : i32
      "tpu.region"() ({
        %run_scoped3A = tpu.sem_alloc : memref<!tpu.dma_semaphore, #tpu.memory_space<semaphore_mem>>
        %dma_start3A = arith.constant 0 : i32
        %dma_start3A_48 = tpu.memref_slice %arg7[%arg0, %add3A_46, %dma_start3A] : memref<2x10000x144xf32, #tpu.memory_space<hbm>> -> memref<1x40x144xf32, #tpu.memory_space<hbm>>
        %dma_start3A_49 = tpu.memref_squeeze %dma_start3A_48 : memref<1x40x144xf32, #tpu.memory_space<hbm>> -> memref<40x144xf32, #tpu.memory_space<hbm>>
        %dma_start3A_50 = arith.constant 0 : i32
        %dma_start3A_51 = tpu.memref_slice %arg7[%arg0, %add3A_46, %dma_start3A_50] : memref<2x10000x144xf32, #tpu.memory_space<hbm>> -> memref<1x40x144xf32, #tpu.memory_space<hbm>>
        %dma_start3A_52 = tpu.memref_squeeze %dma_start3A_51 : memref<1x40x144xf32, #tpu.memory_space<hbm>> -> memref<40x144xf32, #tpu.memory_space<hbm>>
        tpu.enqueue_dma source(%arg14 : memref<40x144xf32, #tpu.memory_space<vmem>>) target(%dma_start3A_52 : memref<40x144xf32, #tpu.memory_space<hbm>>) target_semaphore(%run_scoped3A : memref<!tpu.dma_semaphore, #tpu.memory_space<semaphore_mem>>)
        %dma_wait3A_53 = arith.constant 0 : i32
        %dma_wait3A_54 = tpu.memref_slice %arg7[%arg0, %add3A_46, %dma_wait3A_53] : memref<2x10000x144xf32, #tpu.memory_space<hbm>> -> memref<1x40x144xf32, #tpu.memory_space<hbm>>
        %dma_wait3A_55 = tpu.memref_squeeze %dma_wait3A_54 : memref<1x40x144xf32, #tpu.memory_space<hbm>> -> memref<40x144xf32, #tpu.memory_space<hbm>>
        %dma_wait3A_56 = arith.constant 0 : i32
        %dma_wait3A_57 = tpu.memref_slice %arg7[%arg0, %add3A_46, %dma_wait3A_56] : memref<2x10000x144xf32, #tpu.memory_space<hbm>> -> memref<1x40x144xf32, #tpu.memory_space<hbm>>
        %dma_wait3A_58 = tpu.memref_squeeze %dma_wait3A_57 : memref<1x40x144xf32, #tpu.memory_space<hbm>> -> memref<40x144xf32, #tpu.memory_space<hbm>>
        tpu.wait_dma2 semaphore(%run_scoped3A : memref<!tpu.dma_semaphore, #tpu.memory_space<semaphore_mem>>) src(%arg14 : memref<40x144xf32, #tpu.memory_space<vmem>>) dst(%dma_wait3A_58 : memref<40x144xf32, #tpu.memory_space<hbm>>)
        tpu.yield
      }) : () -> ()
      %scan3A_47 = arith.constant 0 : i32
      scf.yield %scan3A_47 : i32
    }
    %scan3A_36 = arith.constant 15 : i32
    %add3A_37 = arith.constant 600 : i32
    %add3A_38 = arith.addi %mul3A_6, %add3A_37 : i32
    "tpu.region"() ({
      %run_scoped3A = tpu.sem_alloc : memref<!tpu.dma_semaphore, #tpu.memory_space<semaphore_mem>>
      %dma_start3A = arith.constant 0 : i32
      %dma_start3A_39 = arith.constant 0 : i32
      %dma_start3A_40 = tpu.memref_slice %arg14[%dma_start3A, %dma_start3A_39] : memref<40x144xf32, #tpu.memory_space<vmem>> -> memref<25x144xf32, #tpu.memory_space<vmem>>
      %dma_start3A_41 = arith.constant 0 : i32
      %dma_start3A_42 = tpu.memref_slice %arg8[%add3A_38, %dma_start3A_41] : memref<10000x144xf32, #tpu.memory_space<vmem_shared>> -> memref<25x144xf32, #tpu.memory_space<vmem_shared>>
      %dma_start3A_43 = arith.constant 0 : i32
      %dma_start3A_44 = arith.constant 0 : i32
      %dma_start3A_45 = tpu.memref_slice %arg14[%dma_start3A_43, %dma_start3A_44] : memref<40x144xf32, #tpu.memory_space<vmem>> -> memref<25x144xf32, #tpu.memory_space<vmem>>
      %dma_start3A_46 = arith.constant 0 : i32
      %dma_start3A_47 = tpu.memref_slice %arg8[%add3A_38, %dma_start3A_46] : memref<10000x144xf32, #tpu.memory_space<vmem_shared>> -> memref<25x144xf32, #tpu.memory_space<vmem_shared>>
      tpu.enqueue_dma source(%dma_start3A_47 : memref<25x144xf32, #tpu.memory_space<vmem_shared>>) target(%dma_start3A_45 : memref<25x144xf32, #tpu.memory_space<vmem>>) target_semaphore(%run_scoped3A : memref<!tpu.dma_semaphore, #tpu.memory_space<semaphore_mem>>)
      %dma_wait3A_48 = arith.constant 0 : i32
      %dma_wait3A_49 = arith.constant 0 : i32
      %dma_wait3A_50 = tpu.memref_slice %arg14[%dma_wait3A_48, %dma_wait3A_49] : memref<40x144xf32, #tpu.memory_space<vmem>> -> memref<25x144xf32, #tpu.memory_space<vmem>>
      %dma_wait3A_51 = arith.constant 0 : i32
      %dma_wait3A_52 = tpu.memref_slice %arg8[%add3A_38, %dma_wait3A_51] : memref<10000x144xf32, #tpu.memory_space<vmem_shared>> -> memref<25x144xf32, #tpu.memory_space<vmem_shared>>
      %dma_wait3A_53 = arith.constant 0 : i32
      %dma_wait3A_54 = arith.constant 0 : i32
      %dma_wait3A_55 = tpu.memref_slice %arg14[%dma_wait3A_53, %dma_wait3A_54] : memref<40x144xf32, #tpu.memory_space<vmem>> -> memref<25x144xf32, #tpu.memory_space<vmem>>
      %dma_wait3A_56 = arith.constant 0 : i32
      %dma_wait3A_57 = tpu.memref_slice %arg8[%add3A_38, %dma_wait3A_56] : memref<10000x144xf32, #tpu.memory_space<vmem_shared>> -> memref<25x144xf32, #tpu.memory_space<vmem_shared>>
      tpu.wait_dma2 semaphore(%run_scoped3A : memref<!tpu.dma_semaphore, #tpu.memory_space<semaphore_mem>>) src(%dma_wait3A_57 : memref<25x144xf32, #tpu.memory_space<vmem_shared>>) dst(%dma_wait3A_55 : memref<25x144xf32, #tpu.memory_space<vmem>>)
      tpu.yield
    }) : () -> ()
    "tpu.region"() ({
      %run_scoped3A = tpu.sem_alloc : memref<!tpu.dma_semaphore, #tpu.memory_space<semaphore_mem>>
      %dma_start3A = arith.constant 0 : i32
      %dma_start3A_39 = arith.constant 0 : i32
      %dma_start3A_40 = tpu.memref_slice %arg14[%dma_start3A, %dma_start3A_39] : memref<40x144xf32, #tpu.memory_space<vmem>> -> memref<25x144xf32, #tpu.memory_space<vmem>>
      %dma_start3A_41 = arith.constant 0 : i32
      %dma_start3A_42 = tpu.memref_slice %arg7[%arg0, %add3A_38, %dma_start3A_41] : memref<2x10000x144xf32, #tpu.memory_space<hbm>> -> memref<1x25x144xf32, #tpu.memory_space<hbm>>
      %dma_start3A_43 = tpu.memref_squeeze %dma_start3A_42 : memref<1x25x144xf32, #tpu.memory_space<hbm>> -> memref<25x144xf32, #tpu.memory_space<hbm>>
      %dma_start3A_44 = arith.constant 0 : i32
      %dma_start3A_45 = tpu.memref_slice %arg7[%arg0, %add3A_38, %dma_start3A_44] : memref<2x10000x144xf32, #tpu.memory_space<hbm>> -> memref<1x25x144xf32, #tpu.memory_space<hbm>>
      %dma_start3A_46 = tpu.memref_squeeze %dma_start3A_45 : memref<1x25x144xf32, #tpu.memory_space<hbm>> -> memref<25x144xf32, #tpu.memory_space<hbm>>
      %dma_start3A_47 = arith.constant 0 : i32
      %dma_start3A_48 = arith.constant 0 : i32
      %dma_start3A_49 = tpu.memref_slice %arg14[%dma_start3A_47, %dma_start3A_48] : memref<40x144xf32, #tpu.memory_space<vmem>> -> memref<25x144xf32, #tpu.memory_space<vmem>>
      tpu.enqueue_dma source(%dma_start3A_49 : memref<25x144xf32, #tpu.memory_space<vmem>>) target(%dma_start3A_46 : memref<25x144xf32, #tpu.memory_space<hbm>>) target_semaphore(%run_scoped3A : memref<!tpu.dma_semaphore, #tpu.memory_space<semaphore_mem>>)
      %dma_wait3A_50 = arith.constant 0 : i32
      %dma_wait3A_51 = arith.constant 0 : i32
      %dma_wait3A_52 = tpu.memref_slice %arg14[%dma_wait3A_50, %dma_wait3A_51] : memref<40x144xf32, #tpu.memory_space<vmem>> -> memref<25x144xf32, #tpu.memory_space<vmem>>
      %dma_wait3A_53 = arith.constant 0 : i32
      %dma_wait3A_54 = tpu.memref_slice %arg7[%arg0, %add3A_38, %dma_wait3A_53] : memref<2x10000x144xf32, #tpu.memory_space<hbm>> -> memref<1x25x144xf32, #tpu.memory_space<hbm>>
      %dma_wait3A_55 = tpu.memref_squeeze %dma_wait3A_54 : memref<1x25x144xf32, #tpu.memory_space<hbm>> -> memref<25x144xf32, #tpu.memory_space<hbm>>
      %dma_wait3A_56 = arith.constant 0 : i32
      %dma_wait3A_57 = tpu.memref_slice %arg7[%arg0, %add3A_38, %dma_wait3A_56] : memref<2x10000x144xf32, #tpu.memory_space<hbm>> -> memref<1x25x144xf32, #tpu.memory_space<hbm>>
      %dma_wait3A_58 = tpu.memref_squeeze %dma_wait3A_57 : memref<1x25x144xf32, #tpu.memory_space<hbm>> -> memref<25x144xf32, #tpu.memory_space<hbm>>
      %dma_wait3A_59 = arith.constant 0 : i32
      %dma_wait3A_60 = arith.constant 0 : i32
      %dma_wait3A_61 = tpu.memref_slice %arg14[%dma_wait3A_59, %dma_wait3A_60] : memref<40x144xf32, #tpu.memory_space<vmem>> -> memref<25x144xf32, #tpu.memory_space<vmem>>
      tpu.wait_dma2 semaphore(%run_scoped3A : memref<!tpu.dma_semaphore, #tpu.memory_space<semaphore_mem>>) src(%dma_wait3A_61 : memref<25x144xf32, #tpu.memory_space<vmem>>) dst(%dma_wait3A_58 : memref<25x144xf32, #tpu.memory_space<hbm>>)
      tpu.yield
    }) : () -> ()
    return
  }
}

#map = affine_map<(d0, d1) -> (0, 0)>
#map1 = affine_map<(d0, d1) -> (0)>
module attributes {stable_mosaic.version = 14 : i64} {
  func.func @_sc_gather_body(%arg0: i32, %arg1: i32, %arg2: memref<100000x16xf32, #tpu.memory_space<hbm>>, %arg3: memref<10240xi32, #tpu.memory_space<hbm>>, %arg4: memref<10000xi32, #tpu.memory_space<hbm>>, %arg5: memref<320000xi32, #tpu.memory_space<hbm>>, %arg6: memref<10240x16xf32, #tpu.memory_space<hbm>>, %arg7: memref<320000xi32, #tpu.memory_space<hbm>>, %arg8: memref<320xi32, #tpu.memory_space<vmem>>, %arg9: memref<320x16xf32, #tpu.memory_space<vmem>>, %arg10: memref<10000xi32, #tpu.memory_space<vmem>>, %arg11: memref<2000xi32, #tpu.memory_space<vmem>>, %arg12: memref<2000xi32, #tpu.memory_space<vmem>>, %arg13: memref<!tpu.dma_semaphore, #tpu.memory_space<semaphore_mem>>) attributes {dimension_semantics = [#tpu.dimension_semantics<core_parallel>, #tpu.dimension_semantics<subcore_parallel>], iteration_bounds = array<i64: 2, 16>, scalar_prefetch = 0 : i64, scratch_operands = 6 : i64, tpu.core_type = #tpu.core_type<sc_vector_subcore>, window_params = [{transform_indices = #map}, {transform_indices = #map1}, {transform_indices = #map1}, {transform_indices = #map1}, {transform_indices = #map}, {transform_indices = #map1}]} {
    %mul3A = arith.constant 2 : i32
    %mul3A_0 = arith.muli %arg1, %mul3A : i32
    %add3A = arith.addi %mul3A_0, %arg0 : i32
    %mul3A_1 = arith.constant 320 : i32
    %mul3A_2 = arith.muli %add3A, %mul3A_1 : i32
    "tpu.region"() ({
      %run_scoped3A = tpu.sem_alloc : memref<!tpu.dma_semaphore, #tpu.memory_space<semaphore_mem>>
      %dma_start3A_15 = tpu.memref_slice %arg3[%mul3A_2] : memref<10240xi32, #tpu.memory_space<hbm>> -> memref<320xi32, #tpu.memory_space<hbm>>
      %dma_start3A_16 = tpu.memref_slice %arg3[%mul3A_2] : memref<10240xi32, #tpu.memory_space<hbm>> -> memref<320xi32, #tpu.memory_space<hbm>>
      tpu.enqueue_dma source(%dma_start3A_16 : memref<320xi32, #tpu.memory_space<hbm>>) target(%arg8 : memref<320xi32, #tpu.memory_space<vmem>>) target_semaphore(%run_scoped3A : memref<!tpu.dma_semaphore, #tpu.memory_space<semaphore_mem>>)
      %dma_wait3A_17 = tpu.memref_slice %arg3[%mul3A_2] : memref<10240xi32, #tpu.memory_space<hbm>> -> memref<320xi32, #tpu.memory_space<hbm>>
      %dma_wait3A_18 = tpu.memref_slice %arg3[%mul3A_2] : memref<10240xi32, #tpu.memory_space<hbm>> -> memref<320xi32, #tpu.memory_space<hbm>>
      tpu.wait_dma2 semaphore(%run_scoped3A : memref<!tpu.dma_semaphore, #tpu.memory_space<semaphore_mem>>) src(%dma_wait3A_18 : memref<320xi32, #tpu.memory_space<hbm>>) dst(%arg8 : memref<320xi32, #tpu.memory_space<vmem>>)
      tpu.yield
    }) : () -> ()
    %dma_start3A = arith.constant 0 : i32
    %dma_start3A_3 = arith.constant 0 : i32
    %dma_start3A_4 = tpu.memref_slice %arg2[%dma_start3A, %dma_start3A_3] : memref<100000x16xf32, #tpu.memory_space<hbm>> -> memref<100000x16xf32, #tpu.memory_space<hbm>>
    tpu.enqueue_indirect_dma source(%dma_start3A_4 : memref<100000x16xf32, #tpu.memory_space<hbm>>) target(%arg9 : memref<320x16xf32, #tpu.memory_space<vmem>>) offsets(%arg8 : memref<320xi32, #tpu.memory_space<vmem>>) semaphore(%arg13 : memref<!tpu.dma_semaphore, #tpu.memory_space<semaphore_mem>>)
    %dma_wait3A = arith.constant 0 : i32
    %dma_wait3A_5 = arith.constant 0 : i32
    %dma_wait3A_6 = tpu.memref_slice %arg2[%dma_wait3A, %dma_wait3A_5] : memref<100000x16xf32, #tpu.memory_space<hbm>> -> memref<100000x16xf32, #tpu.memory_space<hbm>>
    tpu.wait_indirect_dma semaphore(%arg13 : memref<!tpu.dma_semaphore, #tpu.memory_space<semaphore_mem>>) src(%dma_wait3A_6 : memref<100000x16xf32, #tpu.memory_space<hbm>>) dst(%arg9 : memref<320x16xf32, #tpu.memory_space<vmem>>)
    "tpu.region"() ({
      %run_scoped3A = tpu.sem_alloc : memref<!tpu.dma_semaphore, #tpu.memory_space<semaphore_mem>>
      %dma_start3A_15 = arith.constant 0 : i32
      %dma_start3A_16 = tpu.memref_slice %arg6[%mul3A_2, %dma_start3A_15] : memref<10240x16xf32, #tpu.memory_space<hbm>> -> memref<320x16xf32, #tpu.memory_space<hbm>>
      %dma_start3A_17 = arith.constant 0 : i32
      %dma_start3A_18 = tpu.memref_slice %arg6[%mul3A_2, %dma_start3A_17] : memref<10240x16xf32, #tpu.memory_space<hbm>> -> memref<320x16xf32, #tpu.memory_space<hbm>>
      tpu.enqueue_dma source(%arg9 : memref<320x16xf32, #tpu.memory_space<vmem>>) target(%dma_start3A_18 : memref<320x16xf32, #tpu.memory_space<hbm>>) target_semaphore(%run_scoped3A : memref<!tpu.dma_semaphore, #tpu.memory_space<semaphore_mem>>)
      %dma_wait3A_19 = arith.constant 0 : i32
      %dma_wait3A_20 = tpu.memref_slice %arg6[%mul3A_2, %dma_wait3A_19] : memref<10240x16xf32, #tpu.memory_space<hbm>> -> memref<320x16xf32, #tpu.memory_space<hbm>>
      %dma_wait3A_21 = arith.constant 0 : i32
      %dma_wait3A_22 = tpu.memref_slice %arg6[%mul3A_2, %dma_wait3A_21] : memref<10240x16xf32, #tpu.memory_space<hbm>> -> memref<320x16xf32, #tpu.memory_space<hbm>>
      tpu.wait_dma2 semaphore(%run_scoped3A : memref<!tpu.dma_semaphore, #tpu.memory_space<semaphore_mem>>) src(%arg9 : memref<320x16xf32, #tpu.memory_space<vmem>>) dst(%dma_wait3A_22 : memref<320x16xf32, #tpu.memory_space<hbm>>)
      tpu.yield
    }) : () -> ()
    "tpu.region"() ({
      %run_scoped3A = tpu.sem_alloc : memref<!tpu.dma_semaphore, #tpu.memory_space<semaphore_mem>>
      tpu.enqueue_dma source(%arg4 : memref<10000xi32, #tpu.memory_space<hbm>>) target(%arg10 : memref<10000xi32, #tpu.memory_space<vmem>>) target_semaphore(%run_scoped3A : memref<!tpu.dma_semaphore, #tpu.memory_space<semaphore_mem>>)
      tpu.wait_dma2 semaphore(%run_scoped3A : memref<!tpu.dma_semaphore, #tpu.memory_space<semaphore_mem>>) src(%arg4 : memref<10000xi32, #tpu.memory_space<hbm>>) dst(%arg10 : memref<10000xi32, #tpu.memory_space<vmem>>)
      tpu.yield
    }) : () -> ()
    %mul3A_7 = arith.constant 10000 : i32
    %mul3A_8 = arith.muli %add3A, %mul3A_7 : i32
    %scan3A = arith.constant 0 : i32
    %scan3A_9 = arith.constant 0 : i32
    %scan3A_10 = arith.constant 5 : i32
    %scan3A_11 = arith.addi %scan3A_9, %scan3A_10 : i32
    %scan3A_12 = arith.constant 1 : i32
    %scan3A_13 = scf.for %scan3A_15 = %scan3A_9 to %scan3A_11 step %scan3A_12 iter_args(%scan3A_16 = %scan3A) -> (i32)  : i32 {
      %mul3A_17 = arith.constant 2000 : i32
      %mul3A_18 = arith.muli %scan3A_15, %mul3A_17 : i32
      %add3A_19 = arith.addi %mul3A_8, %mul3A_18 : i32
      "tpu.region"() ({
        %run_scoped3A = tpu.sem_alloc : memref<!tpu.dma_semaphore, #tpu.memory_space<semaphore_mem>>
        %dma_start3A_40 = tpu.memref_slice %arg5[%add3A_19] : memref<320000xi32, #tpu.memory_space<hbm>> -> memref<2000xi32, #tpu.memory_space<hbm>>
        %dma_start3A_41 = tpu.memref_slice %arg5[%add3A_19] : memref<320000xi32, #tpu.memory_space<hbm>> -> memref<2000xi32, #tpu.memory_space<hbm>>
        tpu.enqueue_dma source(%dma_start3A_41 : memref<2000xi32, #tpu.memory_space<hbm>>) target(%arg11 : memref<2000xi32, #tpu.memory_space<vmem>>) target_semaphore(%run_scoped3A : memref<!tpu.dma_semaphore, #tpu.memory_space<semaphore_mem>>)
        %dma_wait3A_42 = tpu.memref_slice %arg5[%add3A_19] : memref<320000xi32, #tpu.memory_space<hbm>> -> memref<2000xi32, #tpu.memory_space<hbm>>
        %dma_wait3A_43 = tpu.memref_slice %arg5[%add3A_19] : memref<320000xi32, #tpu.memory_space<hbm>> -> memref<2000xi32, #tpu.memory_space<hbm>>
        tpu.wait_dma2 semaphore(%run_scoped3A : memref<!tpu.dma_semaphore, #tpu.memory_space<semaphore_mem>>) src(%dma_wait3A_43 : memref<2000xi32, #tpu.memory_space<hbm>>) dst(%arg11 : memref<2000xi32, #tpu.memory_space<vmem>>)
        tpu.yield
      }) : () -> ()
      %scan3A_20 = arith.constant 0 : i32
      %scan3A_21 = arith.constant 0 : i32
      %scan3A_22 = arith.constant 124 : i32
      %scan3A_23 = arith.addi %scan3A_21, %scan3A_22 : i32
      %scan3A_24 = arith.constant 4 : i32
      %scan3A_25 = scf.for %scan3A_40 = %scan3A_21 to %scan3A_23 step %scan3A_24 iter_args(%scan3A_41 = %scan3A_20) -> (i32)  : i32 {
        %mul3A_42 = arith.constant 16 : i32
        %mul3A_43 = arith.muli %scan3A_40, %mul3A_42 : i32
        %get3A_44 = arith.index_cast %mul3A_43 : i32 to index
        %get3A_45 = tpu.vector_load %arg11[%get3A_44] {strides = array<i32>} : memref<2000xi32, #tpu.memory_space<vmem>>, vector<16xi32>,
        %gather3A_46 = tpu.vector_load_idx %arg10[%get3A_45] : memref<10000xi32, #tpu.memory_space<vmem>>[vector<16xi32>], vector<16xi32>,
        %mul3A_47 = arith.constant 16 : i32
        %mul3A_48 = arith.muli %scan3A_40, %mul3A_47 : i32
        %swap3A_49 = arith.index_cast %mul3A_48 : i32 to index
        %swap3A_50 = tpu.vector_load %arg12[%swap3A_49] {strides = array<i32>} : memref<2000xi32, #tpu.memory_space<vmem>>, vector<16xi32>,
        tpu.vector_store %arg12[%swap3A_49], %gather3A_46 {strides = array<i32>} : memref<2000xi32, #tpu.memory_space<vmem>>, vector<16xi32>,
        %scan3A_51 = arith.constant 0 : i32
        %scan3A_52 = arith.constant 1 : i32
        %scan3A_53 = arith.addi %scan3A_40, %scan3A_52 : i32
        %mul3A_54 = arith.constant 16 : i32
        %mul3A_55 = arith.muli %scan3A_53, %mul3A_54 : i32
        %get3A_56 = arith.index_cast %mul3A_55 : i32 to index
        %get3A_57 = tpu.vector_load %arg11[%get3A_56] {strides = array<i32>} : memref<2000xi32, #tpu.memory_space<vmem>>, vector<16xi32>,
        %gather3A_58 = tpu.vector_load_idx %arg10[%get3A_57] : memref<10000xi32, #tpu.memory_space<vmem>>[vector<16xi32>], vector<16xi32>,
        %mul3A_59 = arith.constant 16 : i32
        %mul3A_60 = arith.muli %scan3A_53, %mul3A_59 : i32
        %swap3A_61 = arith.index_cast %mul3A_60 : i32 to index
        %swap3A_62 = tpu.vector_load %arg12[%swap3A_61] {strides = array<i32>} : memref<2000xi32, #tpu.memory_space<vmem>>, vector<16xi32>,
        tpu.vector_store %arg12[%swap3A_61], %gather3A_58 {strides = array<i32>} : memref<2000xi32, #tpu.memory_space<vmem>>, vector<16xi32>,
        %scan3A_63 = arith.constant 0 : i32
        %scan3A_64 = arith.constant 2 : i32
        %scan3A_65 = arith.addi %scan3A_40, %scan3A_64 : i32
        %mul3A_66 = arith.constant 16 : i32
        %mul3A_67 = arith.muli %scan3A_65, %mul3A_66 : i32
        %get3A_68 = arith.index_cast %mul3A_67 : i32 to index
        %get3A_69 = tpu.vector_load %arg11[%get3A_68] {strides = array<i32>} : memref<2000xi32, #tpu.memory_space<vmem>>, vector<16xi32>,
        %gather3A_70 = tpu.vector_load_idx %arg10[%get3A_69] : memref<10000xi32, #tpu.memory_space<vmem>>[vector<16xi32>], vector<16xi32>,
        %mul3A_71 = arith.constant 16 : i32
        %mul3A_72 = arith.muli %scan3A_65, %mul3A_71 : i32
        %swap3A_73 = arith.index_cast %mul3A_72 : i32 to index
        %swap3A_74 = tpu.vector_load %arg12[%swap3A_73] {strides = array<i32>} : memref<2000xi32, #tpu.memory_space<vmem>>, vector<16xi32>,
        tpu.vector_store %arg12[%swap3A_73], %gather3A_70 {strides = array<i32>} : memref<2000xi32, #tpu.memory_space<vmem>>, vector<16xi32>,
        %scan3A_75 = arith.constant 0 : i32
        %scan3A_76 = arith.constant 3 : i32
        %scan3A_77 = arith.addi %scan3A_40, %scan3A_76 : i32
        %mul3A_78 = arith.constant 16 : i32
        %mul3A_79 = arith.muli %scan3A_77, %mul3A_78 : i32
        %get3A_80 = arith.index_cast %mul3A_79 : i32 to index
        %get3A_81 = tpu.vector_load %arg11[%get3A_80] {strides = array<i32>} : memref<2000xi32, #tpu.memory_space<vmem>>, vector<16xi32>,
        %gather3A_82 = tpu.vector_load_idx %arg10[%get3A_81] : memref<10000xi32, #tpu.memory_space<vmem>>[vector<16xi32>], vector<16xi32>,
        %mul3A_83 = arith.constant 16 : i32
        %mul3A_84 = arith.muli %scan3A_77, %mul3A_83 : i32
        %swap3A_85 = arith.index_cast %mul3A_84 : i32 to index
        %swap3A_86 = tpu.vector_load %arg12[%swap3A_85] {strides = array<i32>} : memref<2000xi32, #tpu.memory_space<vmem>>, vector<16xi32>,
        tpu.vector_store %arg12[%swap3A_85], %gather3A_82 {strides = array<i32>} : memref<2000xi32, #tpu.memory_space<vmem>>, vector<16xi32>,
        %scan3A_87 = arith.constant 0 : i32
        scf.yield %scan3A_87 : i32
      }
      %scan3A_26 = arith.constant 124 : i32
      %scan3A_27 = arith.addi %scan3A_21, %scan3A_26 : i32
      %mul3A_28 = arith.constant 16 : i32
      %mul3A_29 = arith.muli %scan3A_27, %mul3A_28 : i32
      %get3A = arith.index_cast %mul3A_29 : i32 to index
      %get3A_30 = tpu.vector_load %arg11[%get3A] {strides = array<i32>} : memref<2000xi32, #tpu.memory_space<vmem>>, vector<16xi32>,
      %gather3A = tpu.vector_load_idx %arg10[%get3A_30] : memref<10000xi32, #tpu.memory_space<vmem>>[vector<16xi32>], vector<16xi32>,
      %mul3A_31 = arith.constant 16 : i32
      %mul3A_32 = arith.muli %scan3A_27, %mul3A_31 : i32
      %swap3A = arith.index_cast %mul3A_32 : i32 to index
      %swap3A_33 = tpu.vector_load %arg12[%swap3A] {strides = array<i32>} : memref<2000xi32, #tpu.memory_space<vmem>>, vector<16xi32>,
      tpu.vector_store %arg12[%swap3A], %gather3A {strides = array<i32>} : memref<2000xi32, #tpu.memory_space<vmem>>, vector<16xi32>,
      %scan3A_34 = arith.constant 0 : i32
      %scan3A_35 = arith.constant 125 : i32
      %mul3A_36 = arith.constant 2000 : i32
      %mul3A_37 = arith.muli %scan3A_15, %mul3A_36 : i32
      %add3A_38 = arith.addi %mul3A_8, %mul3A_37 : i32
      "tpu.region"() ({
        %run_scoped3A = tpu.sem_alloc : memref<!tpu.dma_semaphore, #tpu.memory_space<semaphore_mem>>
        %dma_start3A_40 = tpu.memref_slice %arg7[%add3A_38] : memref<320000xi32, #tpu.memory_space<hbm>> -> memref<2000xi32, #tpu.memory_space<hbm>>
        %dma_start3A_41 = tpu.memref_slice %arg7[%add3A_38] : memref<320000xi32, #tpu.memory_space<hbm>> -> memref<2000xi32, #tpu.memory_space<hbm>>
        tpu.enqueue_dma source(%arg12 : memref<2000xi32, #tpu.memory_space<vmem>>) target(%dma_start3A_41 : memref<2000xi32, #tpu.memory_space<hbm>>) target_semaphore(%run_scoped3A : memref<!tpu.dma_semaphore, #tpu.memory_space<semaphore_mem>>)
        %dma_wait3A_42 = tpu.memref_slice %arg7[%add3A_38] : memref<320000xi32, #tpu.memory_space<hbm>> -> memref<2000xi32, #tpu.memory_space<hbm>>
        %dma_wait3A_43 = tpu.memref_slice %arg7[%add3A_38] : memref<320000xi32, #tpu.memory_space<hbm>> -> memref<2000xi32, #tpu.memory_space<hbm>>
        tpu.wait_dma2 semaphore(%run_scoped3A : memref<!tpu.dma_semaphore, #tpu.memory_space<semaphore_mem>>) src(%arg12 : memref<2000xi32, #tpu.memory_space<vmem>>) dst(%dma_wait3A_43 : memref<2000xi32, #tpu.memory_space<hbm>>)
        tpu.yield
      }) : () -> ()
      %scan3A_39 = arith.constant 0 : i32
      scf.yield %scan3A_39 : i32
    }
    %scan3A_14 = arith.constant 5 : i32
    return
  }
}

module attributes {stable_mosaic.version = 14 : i64} {
  func.func @_tc_node_body(%arg0: i32, %arg1: memref<2000x128xf32, #tpu.memory_space<vmem>>, %arg2: memref<2000x16xf32, #tpu.memory_space<vmem>>, %arg3: memref<128x128xf32, #tpu.memory_space<vmem>>, %arg4: memref<16x128xf32, #tpu.memory_space<vmem>>, %arg5: memref<1x128xf32, #tpu.memory_space<vmem>>, %arg6: memref<128x128xf32, #tpu.memory_space<vmem>>, %arg7: memref<1x128xf32, #tpu.memory_space<vmem>>, %arg8: memref<128x128xf32, #tpu.memory_space<vmem>>, %arg9: memref<1x128xf32, #tpu.memory_space<vmem>>, %arg10: memref<128x128xf32, #tpu.memory_space<vmem>>, %arg11: memref<1x128xf32, #tpu.memory_space<vmem>>, %arg12: memref<128x128xf32, #tpu.memory_space<vmem>>, %arg13: memref<1x128xf32, #tpu.memory_space<vmem>>, %arg14: memref<2000x128xf32, #tpu.memory_space<vmem>>, %arg15: memref<2000x256xf32, #tpu.memory_space<vmem>>, %arg16: memref<2000x128xf32, #tpu.memory_space<vmem>>) attributes {dimension_semantics = [#tpu.dimension_semantics<arbitrary>], iteration_bounds = array<i64: 5>, scalar_prefetch = 0 : i64, scratch_operands = 0 : i64, tpu.core_type = #tpu.core_type<tc>, window_params = [{transform_indices = @transform_0, window_bounds = array<i64: 2000, 128>}, {transform_indices = @transform_1, window_bounds = array<i64: 2000, 16>}, {pipeline_mode = #tpu.pipeline_mode<synchronous>, transform_indices = @transform_2, window_bounds = array<i64: 128, 128>}, {pipeline_mode = #tpu.pipeline_mode<synchronous>, transform_indices = @transform_3, window_bounds = array<i64: 16, 128>}, {pipeline_mode = #tpu.pipeline_mode<synchronous>, transform_indices = @transform_4, window_bounds = array<i64: 1, 128>}, {pipeline_mode = #tpu.pipeline_mode<synchronous>, transform_indices = @transform_5, window_bounds = array<i64: 128, 128>}, {pipeline_mode = #tpu.pipeline_mode<synchronous>, transform_indices = @transform_6, window_bounds = array<i64: 1, 128>}, {pipeline_mode = #tpu.pipeline_mode<synchronous>, transform_indices = @transform_7, window_bounds = array<i64: 128, 128>}, {pipeline_mode = #tpu.pipeline_mode<synchronous>, transform_indices = @transform_8, window_bounds = array<i64: 1, 128>}, {pipeline_mode = #tpu.pipeline_mode<synchronous>, transform_indices = @transform_9, window_bounds = array<i64: 128, 128>}, {pipeline_mode = #tpu.pipeline_mode<synchronous>, transform_indices = @transform_10, window_bounds = array<i64: 1, 128>}, {pipeline_mode = #tpu.pipeline_mode<synchronous>, transform_indices = @transform_11, window_bounds = array<i64: 128, 128>}, {pipeline_mode = #tpu.pipeline_mode<synchronous>, transform_indices = @transform_12, window_bounds = array<i64: 1, 128>}, {transform_indices = @transform_13, window_bounds = array<i64: 2000, 128>}, {transform_indices = @transform_14, window_bounds = array<i64: 2000, 256>}, {transform_indices = @transform_15, window_bounds = array<i64: 2000, 128>}]} {
    %get3A = arith.constant 0 : index
    %get3A_0 = arith.constant 0 : index
    %get3A_1 = vector.load %arg1[%get3A, %get3A_0] : memref<2000x128xf32, #tpu.memory_space<vmem>>, vector<2000x128xf32>
    %get3A_2 = arith.constant 0 : index
    %get3A_3 = arith.constant 0 : index
    %get3A_4 = vector.load %arg3[%get3A_2, %get3A_3] : memref<128x128xf32, #tpu.memory_space<vmem>>, vector<128x128xf32>
    %dot_general3A = arith.constant dense<0.000000e+00> : vector<2000x128xf32>
    %dot_general3A_5 = tpu.matmul %get3A_1, %get3A_4, %dot_general3A {dimension_numbers = #tpu.dot_dimension_numbers<[1], [0], [0], [1], [0, 0, 1, 1], [], []>, transpose_lhs_hint = false} : vector<2000x128xf32>, vector<128x128xf32>, vector<2000x128xf32> -> vector<2000x128xf32>
    %get3A_6 = arith.constant 0 : index
    %get3A_7 = arith.constant 0 : index
    %get3A_8 = vector.load %arg2[%get3A_6, %get3A_7] : memref<2000x16xf32, #tpu.memory_space<vmem>>, vector<2000x16xf32>
    %get3A_9 = arith.constant 0 : index
    %get3A_10 = arith.constant 0 : index
    %get3A_11 = vector.load %arg4[%get3A_9, %get3A_10] : memref<16x128xf32, #tpu.memory_space<vmem>>, vector<16x128xf32>
    %dot_general3A_12 = arith.constant dense<0.000000e+00> : vector<2000x128xf32>
    %dot_general3A_13 = tpu.matmul %get3A_8, %get3A_11, %dot_general3A_12 {dimension_numbers = #tpu.dot_dimension_numbers<[1], [0], [0], [1], [0, 0, 1, 1], [], []>, transpose_lhs_hint = false} : vector<2000x16xf32>, vector<16x128xf32>, vector<2000x128xf32> -> vector<2000x128xf32>
    %add3A = arith.addf %dot_general3A_5, %dot_general3A_13 : vector<2000x128xf32>
    %get3A_14 = arith.constant 0 : index
    %get3A_15 = arith.constant 0 : index
    %get3A_16 = vector.load %arg5[%get3A_14, %get3A_15] : memref<1x128xf32, #tpu.memory_space<vmem>>, vector<1x128xf32>
    %add3A_17 = vector.broadcast %get3A_16 : vector<1x128xf32> to vector<2000x128xf32>
    %add3A_18 = arith.addf %add3A, %add3A_17 : vector<2000x128xf32>
    %get3A_19 = arith.constant 0 : index
    %get3A_20 = arith.constant 0 : index
    %get3A_21 = vector.load %arg6[%get3A_19, %get3A_20] : memref<128x128xf32, #tpu.memory_space<vmem>>, vector<128x128xf32>
    %dot_general3A_22 = arith.constant dense<0.000000e+00> : vector<2000x128xf32>
    %dot_general3A_23 = tpu.matmul %add3A_18, %get3A_21, %dot_general3A_22 {dimension_numbers = #tpu.dot_dimension_numbers<[1], [0], [0], [1], [0, 0, 1, 1], [], []>, transpose_lhs_hint = false} : vector<2000x128xf32>, vector<128x128xf32>, vector<2000x128xf32> -> vector<2000x128xf32>
    %get3A_24 = arith.constant 0 : index
    %get3A_25 = arith.constant 0 : index
    %get3A_26 = vector.load %arg7[%get3A_24, %get3A_25] : memref<1x128xf32, #tpu.memory_space<vmem>>, vector<1x128xf32>
    %add3A_27 = vector.broadcast %get3A_26 : vector<1x128xf32> to vector<2000x128xf32>
    %add3A_28 = arith.addf %dot_general3A_23, %add3A_27 : vector<2000x128xf32>
    %swap3A = arith.constant 0 : index
    %swap3A_29 = arith.constant 0 : index
    %swap3A_30 = vector.load %arg14[%swap3A, %swap3A_29] : memref<2000x128xf32, #tpu.memory_space<vmem>>, vector<2000x128xf32>
    tpu.vector_store %arg14[%swap3A, %swap3A_29], %add3A_28 {strides = array<i32>} : memref<2000x128xf32, #tpu.memory_space<vmem>>, vector<2000x128xf32>,
    %get3A_31 = arith.constant 0 : index
    %get3A_32 = arith.constant 0 : index
    %get3A_33 = vector.load %arg8[%get3A_31, %get3A_32] : memref<128x128xf32, #tpu.memory_space<vmem>>, vector<128x128xf32>
    %dot_general3A_34 = arith.constant dense<0.000000e+00> : vector<2000x128xf32>
    %dot_general3A_35 = tpu.matmul %add3A_18, %get3A_33, %dot_general3A_34 {dimension_numbers = #tpu.dot_dimension_numbers<[1], [0], [0], [1], [0, 0, 1, 1], [], []>, transpose_lhs_hint = false} : vector<2000x128xf32>, vector<128x128xf32>, vector<2000x128xf32> -> vector<2000x128xf32>
    %get3A_36 = arith.constant 0 : index
    %get3A_37 = arith.constant 0 : index
    %get3A_38 = vector.load %arg9[%get3A_36, %get3A_37] : memref<1x128xf32, #tpu.memory_space<vmem>>, vector<1x128xf32>
    %add3A_39 = vector.broadcast %get3A_38 : vector<1x128xf32> to vector<2000x128xf32>
    %add3A_40 = arith.addf %dot_general3A_35, %add3A_39 : vector<2000x128xf32>
    %swap3A_41 = arith.constant 0 : index
    %swap3A_42 = arith.constant 0 : index
    %swap3A_43 = vector.load %arg15[%swap3A_41, %swap3A_42] : memref<2000x256xf32, #tpu.memory_space<vmem>>, vector<2000x128xf32>
    tpu.vector_store %arg15[%swap3A_41, %swap3A_42], %add3A_40 {strides = array<i32>} : memref<2000x256xf32, #tpu.memory_space<vmem>>, vector<2000x128xf32>,
    %get3A_44 = arith.constant 0 : index
    %get3A_45 = arith.constant 0 : index
    %get3A_46 = vector.load %arg10[%get3A_44, %get3A_45] : memref<128x128xf32, #tpu.memory_space<vmem>>, vector<128x128xf32>
    %dot_general3A_47 = arith.constant dense<0.000000e+00> : vector<2000x128xf32>
    %dot_general3A_48 = tpu.matmul %add3A_18, %get3A_46, %dot_general3A_47 {dimension_numbers = #tpu.dot_dimension_numbers<[1], [0], [0], [1], [0, 0, 1, 1], [], []>, transpose_lhs_hint = false} : vector<2000x128xf32>, vector<128x128xf32>, vector<2000x128xf32> -> vector<2000x128xf32>
    %get3A_49 = arith.constant 0 : index
    %get3A_50 = arith.constant 0 : index
    %get3A_51 = vector.load %arg11[%get3A_49, %get3A_50] : memref<1x128xf32, #tpu.memory_space<vmem>>, vector<1x128xf32>
    %add3A_52 = vector.broadcast %get3A_51 : vector<1x128xf32> to vector<2000x128xf32>
    %add3A_53 = arith.addf %dot_general3A_48, %add3A_52 : vector<2000x128xf32>
    %swap3A_54 = arith.constant 0 : index
    %swap3A_55 = arith.constant 128 : index
    %swap3A_56 = vector.load %arg15[%swap3A_54, %swap3A_55] : memref<2000x256xf32, #tpu.memory_space<vmem>>, vector<2000x128xf32>
    tpu.vector_store %arg15[%swap3A_54, %swap3A_55], %add3A_53 {strides = array<i32>} : memref<2000x256xf32, #tpu.memory_space<vmem>>, vector<2000x128xf32>,
    %get3A_57 = arith.constant 0 : index
    %get3A_58 = arith.constant 0 : index
    %get3A_59 = vector.load %arg12[%get3A_57, %get3A_58] : memref<128x128xf32, #tpu.memory_space<vmem>>, vector<128x128xf32>
    %dot_general3A_60 = arith.constant dense<0.000000e+00> : vector<2000x128xf32>
    %dot_general3A_61 = tpu.matmul %add3A_18, %get3A_59, %dot_general3A_60 {dimension_numbers = #tpu.dot_dimension_numbers<[1], [0], [0], [1], [0, 0, 1, 1], [], []>, transpose_lhs_hint = false} : vector<2000x128xf32>, vector<128x128xf32>, vector<2000x128xf32> -> vector<2000x128xf32>
    %get3A_62 = arith.constant 0 : index
    %get3A_63 = arith.constant 0 : index
    %get3A_64 = vector.load %arg13[%get3A_62, %get3A_63] : memref<1x128xf32, #tpu.memory_space<vmem>>, vector<1x128xf32>
    %add3A_65 = vector.broadcast %get3A_64 : vector<1x128xf32> to vector<2000x128xf32>
    %add3A_66 = arith.addf %dot_general3A_61, %add3A_65 : vector<2000x128xf32>
    %swap3A_67 = arith.constant 0 : index
    %swap3A_68 = arith.constant 0 : index
    %swap3A_69 = vector.load %arg16[%swap3A_67, %swap3A_68] : memref<2000x128xf32, #tpu.memory_space<vmem>>, vector<2000x128xf32>
    tpu.vector_store %arg16[%swap3A_67, %swap3A_68], %add3A_66 {strides = array<i32>} : memref<2000x128xf32, #tpu.memory_space<vmem>>, vector<2000x128xf32>,
    return
  }
  func.func @transform_0(%arg0: i32) -> (i32, i32) {
    %c0_i32 = arith.constant 0 : i32
    %c0_i32_0 = arith.constant 0 : i32
    return %arg0, %c0_i32 : i32, i32
  }
  func.func @transform_1(%arg0: i32) -> (i32, i32) {
    %c0_i32 = arith.constant 0 : i32
    %c0_i32_0 = arith.constant 0 : i32
    return %arg0, %c0_i32 : i32, i32
  }
  func.func @transform_2(%arg0: i32) -> (i32, i32) {
    %c0_i32 = arith.constant 0 : i32
    %c0_i32_0 = arith.constant 0 : i32
    %c0_i32_1 = arith.constant 0 : i32
    return %c0_i32, %c0_i32_0 : i32, i32
  }
  func.func @transform_3(%arg0: i32) -> (i32, i32) {
    %c0_i32 = arith.constant 0 : i32
    %c0_i32_0 = arith.constant 0 : i32
    %c0_i32_1 = arith.constant 0 : i32
    return %c0_i32, %c0_i32_0 : i32, i32
  }
  func.func @transform_4(%arg0: i32) -> (i32, i32) {
    %c0_i32 = arith.constant 0 : i32
    %c0_i32_0 = arith.constant 0 : i32
    %c0_i32_1 = arith.constant 0 : i32
    return %c0_i32, %c0_i32_0 : i32, i32
  }
  func.func @transform_5(%arg0: i32) -> (i32, i32) {
    %c0_i32 = arith.constant 0 : i32
    %c0_i32_0 = arith.constant 0 : i32
    %c0_i32_1 = arith.constant 0 : i32
    return %c0_i32, %c0_i32_0 : i32, i32
  }
  func.func @transform_6(%arg0: i32) -> (i32, i32) {
    %c0_i32 = arith.constant 0 : i32
    %c0_i32_0 = arith.constant 0 : i32
    %c0_i32_1 = arith.constant 0 : i32
    return %c0_i32, %c0_i32_0 : i32, i32
  }
  func.func @transform_7(%arg0: i32) -> (i32, i32) {
    %c0_i32 = arith.constant 0 : i32
    %c0_i32_0 = arith.constant 0 : i32
    %c0_i32_1 = arith.constant 0 : i32
    return %c0_i32, %c0_i32_0 : i32, i32
  }
  func.func @transform_8(%arg0: i32) -> (i32, i32) {
    %c0_i32 = arith.constant 0 : i32
    %c0_i32_0 = arith.constant 0 : i32
    %c0_i32_1 = arith.constant 0 : i32
    return %c0_i32, %c0_i32_0 : i32, i32
  }
  func.func @transform_9(%arg0: i32) -> (i32, i32) {
    %c0_i32 = arith.constant 0 : i32
    %c0_i32_0 = arith.constant 0 : i32
    %c0_i32_1 = arith.constant 0 : i32
    return %c0_i32, %c0_i32_0 : i32, i32
  }
  func.func @transform_10(%arg0: i32) -> (i32, i32) {
    %c0_i32 = arith.constant 0 : i32
    %c0_i32_0 = arith.constant 0 : i32
    %c0_i32_1 = arith.constant 0 : i32
    return %c0_i32, %c0_i32_0 : i32, i32
  }
  func.func @transform_11(%arg0: i32) -> (i32, i32) {
    %c0_i32 = arith.constant 0 : i32
    %c0_i32_0 = arith.constant 0 : i32
    %c0_i32_1 = arith.constant 0 : i32
    return %c0_i32, %c0_i32_0 : i32, i32
  }
  func.func @transform_12(%arg0: i32) -> (i32, i32) {
    %c0_i32 = arith.constant 0 : i32
    %c0_i32_0 = arith.constant 0 : i32
    %c0_i32_1 = arith.constant 0 : i32
    return %c0_i32, %c0_i32_0 : i32, i32
  }
  func.func @transform_13(%arg0: i32) -> (i32, i32) {
    %c0_i32 = arith.constant 0 : i32
    %c0_i32_0 = arith.constant 0 : i32
    return %arg0, %c0_i32 : i32, i32
  }
  func.func @transform_14(%arg0: i32) -> (i32, i32) {
    %c0_i32 = arith.constant 0 : i32
    %c0_i32_0 = arith.constant 0 : i32
    return %arg0, %c0_i32 : i32, i32
  }
  func.func @transform_15(%arg0: i32) -> (i32, i32) {
    %c0_i32 = arith.constant 0 : i32
    %c0_i32_0 = arith.constant 0 : i32
    return %arg0, %c0_i32 : i32, i32
  }
}

module attributes {stable_mosaic.version = 14 : i64} {
  func.func @_tc_edge_body(%arg0: i32, %arg1: memref<320x128xf32, #tpu.memory_space<vmem>>, %arg2: memref<2560x16xf32, #tpu.memory_space<vmem>>, %arg3: memref<1x128xf32, #tpu.memory_space<vmem>>, %arg4: memref<1x128xf32, #tpu.memory_space<vmem>>, %arg5: memref<128x1024xf32, #tpu.memory_space<vmem>>, %arg6: memref<16x128xf32, #tpu.memory_space<vmem>>, %arg7: memref<1x128xf32, #tpu.memory_space<vmem>>, %arg8: memref<2560x128xf32, #tpu.memory_space<vmem>>) attributes {dimension_semantics = [#tpu.dimension_semantics<arbitrary>], iteration_bounds = array<i64: 125>, scalar_prefetch = 0 : i64, scratch_operands = 0 : i64, tpu.core_type = #tpu.core_type<tc>, window_params = [{transform_indices = @transform_0, window_bounds = array<i64: 320, 128>}, {transform_indices = @transform_1, window_bounds = array<i64: 2560, 16>}, {pipeline_mode = #tpu.pipeline_mode<synchronous>, transform_indices = @transform_2, window_bounds = array<i64: 1, 128>}, {pipeline_mode = #tpu.pipeline_mode<synchronous>, transform_indices = @transform_3, window_bounds = array<i64: 1, 128>}, {pipeline_mode = #tpu.pipeline_mode<synchronous>, transform_indices = @transform_4, window_bounds = array<i64: 128, 1024>}, {pipeline_mode = #tpu.pipeline_mode<synchronous>, transform_indices = @transform_5, window_bounds = array<i64: 16, 128>}, {pipeline_mode = #tpu.pipeline_mode<synchronous>, transform_indices = @transform_6, window_bounds = array<i64: 1, 128>}, {transform_indices = @transform_7, window_bounds = array<i64: 2560, 128>}]} {
    %get3A = arith.constant 0 : index
    %get3A_0 = arith.constant 0 : index
    %get3A_1 = vector.load %arg1[%get3A, %get3A_0] : memref<320x128xf32, #tpu.memory_space<vmem>>, vector<320x128xf32>
    %get3A_2 = arith.constant 0 : index
    %get3A_3 = arith.constant 0 : index
    %get3A_4 = vector.load %arg3[%get3A_2, %get3A_3] : memref<1x128xf32, #tpu.memory_space<vmem>>, vector<1x128xf32>
    %mul3A = vector.broadcast %get3A_4 : vector<1x128xf32> to vector<320x128xf32>
    %mul3A_5 = arith.mulf %get3A_1, %mul3A : vector<320x128xf32>
    %get3A_6 = arith.constant 0 : index
    %get3A_7 = arith.constant 0 : index
    %get3A_8 = vector.load %arg4[%get3A_6, %get3A_7] : memref<1x128xf32, #tpu.memory_space<vmem>>, vector<1x128xf32>
    %add3A = vector.broadcast %get3A_8 : vector<1x128xf32> to vector<320x128xf32>
    %add3A_9 = arith.addf %mul3A_5, %add3A : vector<320x128xf32>
    %cos3A = math.cos %add3A_9 : vector<320x128xf32>
    %get3A_10 = arith.constant 0 : index
    %get3A_11 = arith.constant 0 : index
    %get3A_12 = vector.load %arg5[%get3A_10, %get3A_11] : memref<128x1024xf32, #tpu.memory_space<vmem>>, vector<128x1024xf32>
    %dot_general3A = arith.constant dense<0.000000e+00> : vector<320x1024xf32>
    %dot_general3A_13 = tpu.matmul %cos3A, %get3A_12, %dot_general3A {dimension_numbers = #tpu.dot_dimension_numbers<[1], [0], [0], [1], [0, 0, 1, 1], [], []>, transpose_lhs_hint = false} : vector<320x128xf32>, vector<128x1024xf32>, vector<320x1024xf32> -> vector<320x1024xf32>
    %reshape3A = vector.shape_cast %dot_general3A_13 : vector<320x1024xf32> to vector<2560x128xf32>
    %get3A_14 = arith.constant 0 : index
    %get3A_15 = arith.constant 0 : index
    %get3A_16 = vector.load %arg2[%get3A_14, %get3A_15] : memref<2560x16xf32, #tpu.memory_space<vmem>>, vector<2560x16xf32>
    %get3A_17 = arith.constant 0 : index
    %get3A_18 = arith.constant 0 : index
    %get3A_19 = vector.load %arg6[%get3A_17, %get3A_18] : memref<16x128xf32, #tpu.memory_space<vmem>>, vector<16x128xf32>
    %dot_general3A_20 = arith.constant dense<0.000000e+00> : vector<2560x128xf32>
    %dot_general3A_21 = tpu.matmul %get3A_16, %get3A_19, %dot_general3A_20 {dimension_numbers = #tpu.dot_dimension_numbers<[1], [0], [0], [1], [0, 0, 1, 1], [], []>, transpose_lhs_hint = false} : vector<2560x16xf32>, vector<16x128xf32>, vector<2560x128xf32> -> vector<2560x128xf32>
    %add3A_22 = arith.addf %reshape3A, %dot_general3A_21 : vector<2560x128xf32>
    %get3A_23 = arith.constant 0 : index
    %get3A_24 = arith.constant 0 : index
    %get3A_25 = vector.load %arg7[%get3A_23, %get3A_24] : memref<1x128xf32, #tpu.memory_space<vmem>>, vector<1x128xf32>
    %add3A_26 = vector.broadcast %get3A_25 : vector<1x128xf32> to vector<2560x128xf32>
    %add3A_27 = arith.addf %add3A_22, %add3A_26 : vector<2560x128xf32>
    %swap3A = arith.constant 0 : index
    %swap3A_28 = arith.constant 0 : index
    %swap3A_29 = vector.load %arg8[%swap3A, %swap3A_28] : memref<2560x128xf32, #tpu.memory_space<vmem>>, vector<2560x128xf32>
    tpu.vector_store %arg8[%swap3A, %swap3A_28], %add3A_27 {strides = array<i32>} : memref<2560x128xf32, #tpu.memory_space<vmem>>, vector<2560x128xf32>,
    return
  }
  func.func @transform_0(%arg0: i32) -> (i32, i32) {
    %c0_i32 = arith.constant 0 : i32
    %c0_i32_0 = arith.constant 0 : i32
    return %arg0, %c0_i32 : i32, i32
  }
  func.func @transform_1(%arg0: i32) -> (i32, i32) {
    %c0_i32 = arith.constant 0 : i32
    %c0_i32_0 = arith.constant 0 : i32
    return %arg0, %c0_i32 : i32, i32
  }
  func.func @transform_2(%arg0: i32) -> (i32, i32) {
    %c0_i32 = arith.constant 0 : i32
    %c0_i32_0 = arith.constant 0 : i32
    %c0_i32_1 = arith.constant 0 : i32
    return %c0_i32, %c0_i32_0 : i32, i32
  }
  func.func @transform_3(%arg0: i32) -> (i32, i32) {
    %c0_i32 = arith.constant 0 : i32
    %c0_i32_0 = arith.constant 0 : i32
    %c0_i32_1 = arith.constant 0 : i32
    return %c0_i32, %c0_i32_0 : i32, i32
  }
  func.func @transform_4(%arg0: i32) -> (i32, i32) {
    %c0_i32 = arith.constant 0 : i32
    %c0_i32_0 = arith.constant 0 : i32
    %c0_i32_1 = arith.constant 0 : i32
    return %c0_i32, %c0_i32_0 : i32, i32
  }
  func.func @transform_5(%arg0: i32) -> (i32, i32) {
    %c0_i32 = arith.constant 0 : i32
    %c0_i32_0 = arith.constant 0 : i32
    %c0_i32_1 = arith.constant 0 : i32
    return %c0_i32, %c0_i32_0 : i32, i32
  }
  func.func @transform_6(%arg0: i32) -> (i32, i32) {
    %c0_i32 = arith.constant 0 : i32
    %c0_i32_0 = arith.constant 0 : i32
    %c0_i32_1 = arith.constant 0 : i32
    return %c0_i32, %c0_i32_0 : i32, i32
  }
  func.func @transform_7(%arg0: i32) -> (i32, i32) {
    %c0_i32 = arith.constant 0 : i32
    %c0_i32_0 = arith.constant 0 : i32
    return %arg0, %c0_i32 : i32, i32
  }
}

module attributes {stable_mosaic.version = 14 : i64} {
  func.func @_tc_final_body(%arg0: i32, %arg1: memref<2x2000x144xf32, #tpu.memory_space<vmem>>, %arg2: memref<2000x128xf32, #tpu.memory_space<vmem>>, %arg3: memref<2000x128xf32, #tpu.memory_space<vmem>>) attributes {dimension_semantics = [#tpu.dimension_semantics<arbitrary>], iteration_bounds = array<i64: 5>, scalar_prefetch = 0 : i64, scratch_operands = 0 : i64, tpu.core_type = #tpu.core_type<tc>, window_params = [{transform_indices = @transform_0, window_bounds = array<i64: 2, 2000, 144>}, {transform_indices = @transform_1, window_bounds = array<i64: 2000, 128>}, {transform_indices = @transform_2, window_bounds = array<i64: 2000, 128>}]} {
    %get3A = arith.constant 0 : index
    %get3A_0 = arith.constant 0 : index
    %get3A_1 = arith.constant 0 : index
    %get3A_2 = vector.load %arg1[%get3A, %get3A_0, %get3A_1] : memref<2x2000x144xf32, #tpu.memory_space<vmem>>, vector<1x2000x144xf32>
    %get3A_3 = vector.shape_cast %get3A_2 : vector<1x2000x144xf32> to vector<2000x144xf32>
    %get3A_4 = arith.constant 1 : index
    %get3A_5 = arith.constant 0 : index
    %get3A_6 = arith.constant 0 : index
    %get3A_7 = vector.load %arg1[%get3A_4, %get3A_5, %get3A_6] : memref<2x2000x144xf32, #tpu.memory_space<vmem>>, vector<1x2000x144xf32>
    %get3A_8 = vector.shape_cast %get3A_7 : vector<1x2000x144xf32> to vector<2000x144xf32>
    %add3A = arith.addf %get3A_3, %get3A_8 : vector<2000x144xf32>
    %slice3A = vector.extract_strided_slice %add3A {offsets = [0, 128], sizes = [2000, 1], strides = [1, 1]} : vector<2000x144xf32> to vector<2000x1xf32>
    %add3A_9 = arith.constant 1.000000e-16 : f32
    %add3A_10 = vector.broadcast %add3A_9 : f32 to vector<2000x1xf32>
    %add3A_11 = arith.addf %slice3A, %add3A_10 : vector<2000x1xf32>
    %slice3A_12 = vector.extract_strided_slice %add3A {offsets = [0, 129], sizes = [2000, 1], strides = [1, 1]} : vector<2000x144xf32> to vector<2000x1xf32>
    %add3A_13 = arith.constant 1.000000e-16 : f32
    %add3A_14 = vector.broadcast %add3A_13 : f32 to vector<2000x1xf32>
    %add3A_15 = arith.addf %slice3A_12, %add3A_14 : vector<2000x1xf32>
    %slice3A_16 = vector.extract_strided_slice %add3A {offsets = [0, 0], sizes = [2000, 64], strides = [1, 1]} : vector<2000x144xf32> to vector<2000x64xf32>
    %div3A = vector.broadcast %add3A_11 : vector<2000x1xf32> to vector<2000x64xf32>
    %div3A_17 = arith.divf %slice3A_16, %div3A : vector<2000x64xf32>
    %slice3A_18 = vector.extract_strided_slice %add3A {offsets = [0, 64], sizes = [2000, 64], strides = [1, 1]} : vector<2000x144xf32> to vector<2000x64xf32>
    %div3A_19 = vector.broadcast %add3A_15 : vector<2000x1xf32> to vector<2000x64xf32>
    %div3A_20 = arith.divf %slice3A_18, %div3A_19 : vector<2000x64xf32>
    %concatenate3A = tpu.concatenate %div3A_17, %div3A_20 in 1 : vector<2000x64xf32>, vector<2000x64xf32> -> vector<2000x128xf32>
    %get3A_21 = arith.constant 0 : index
    %get3A_22 = arith.constant 0 : index
    %get3A_23 = vector.load %arg2[%get3A_21, %get3A_22] : memref<2000x128xf32, #tpu.memory_space<vmem>>, vector<2000x128xf32>
    %add3A_24 = arith.addf %concatenate3A, %get3A_23 : vector<2000x128xf32>
    %swap3A = arith.constant 0 : index
    %swap3A_25 = arith.constant 0 : index
    %swap3A_26 = vector.load %arg3[%swap3A, %swap3A_25] : memref<2000x128xf32, #tpu.memory_space<vmem>>, vector<2000x128xf32>
    tpu.vector_store %arg3[%swap3A, %swap3A_25], %add3A_24 {strides = array<i32>} : memref<2000x128xf32, #tpu.memory_space<vmem>>, vector<2000x128xf32>,
    return
  }
  func.func @transform_0(%arg0: i32) -> (i32, i32, i32) {
    %c0_i32 = arith.constant 0 : i32
    %c0_i32_0 = arith.constant 0 : i32
    %c0_i32_1 = arith.constant 0 : i32
    return %c0_i32, %arg0, %c0_i32_0 : i32, i32, i32
  }
  func.func @transform_1(%arg0: i32) -> (i32, i32) {
    %c0_i32 = arith.constant 0 : i32
    %c0_i32_0 = arith.constant 0 : i32
    return %arg0, %c0_i32 : i32, i32
  }
  func.func @transform_2(%arg0: i32) -> (i32, i32) {
    %c0_i32 = arith.constant 0 : i32
    %c0_i32_0 = arith.constant 0 : i32
    return %arg0, %c0_i32 : i32, i32
  }
}

</mosaic_0001>

<sc_bundles>
// kernel: _run.10.cloned.1.call-start
scs
__scs_entry_jumppad:
0x0: {  	(pc) =	sbr.rel $0x88, $3  }
0x1: {  	(tag) =	ssettag $0x0;
	lr =	simm.s32 $0x1  }
0x2: {  	[smem:$0x3F8C] =	sst lr;
	_ =	strace $0xD0000000  }
0x3: {  	_ = 	snop  }
0x4: {  	_ = 	snop  }
0x5: {  	_ = 	snop  }
0x6: {  	_ = 	snop  }
0x7: {  	_ = 	snop  }
__scs_overlays_trampoline_lowered:
0x8: {  	[smem:$0x3F9B] =	sst s0  }
0x9: {  	[smem:$0x3F9C] =	sst s1  }
0xa: {  	[smem:$0x3F9D] =	sst s2  }
0xb: {  	[smem:$0x3F9E] =	sst s3  }
0xc: {  	[smem:$0x3F9F] =	sst s4  }
0xd: {  	[smem:$0x3FA0] =	sst s5  }
0xe: {  	[smem:$0x3FA1] =	sst s6  }
0xf: {  	[smem:$0x3FA2] =	sst s7  }
0x10: {  	[smem:$0x3FA3] =	sst s8  }
0x11: {  	[smem:$0x3FA4] =	sst s9;
	s0 =	simm.s32 @!p0 $0x0  }
0x12: {  	s1 =	sld [smem:$0x3F8A];
	s0 =	simm.s32 @p0 $0x1  }
0x13: {  	[smem:$0x3FA5] =	sst s0;
	s0 =	simm.s32 @!p1 $0x0  }
0x14: {  	s2 =	sld [smem:$0x3F89];
	s0 =	simm.s32 @p1 $0x1  }
0x15: {  	[smem:$0x3FA6] =	sst s0;
	s0 =	simm.s32 @!p2 $0x0  }
0x16: {  	s3 =	sld [smem:$0x3FDB];
	s0 =	simm.s32 @p2 $0x1  }
0x17: {  	s4 =	simm.s32 $0x1BF5;
	[smem:$0x3FA8] =	sst s0  }
0x18: {  	s0 =	sld [smem:$0x3F8B];
	_ =	swait.ge [sflag:s4], $0x0  }
0x19: {  	s7 =	sld [smem:$0x3F8C]  }
0x1a: {  	s8 =	sadd.s32 $0xFFFFE003, lr  }
0x1b: {  	s9 =	sadd.s32 $0xFFFFFEF7, lr;
	s5 =	simm.s32 $0xFFFFFFFF;
	p2 =	slt.u32 s8, $0xFFFFF086  }
0x1c: {  	p1 =	slt.u32 s9, $0xF7A;
	s5 =	simm.s32 @!p2 $0x0  }
0x1d: {  	s5 =	simm.s32 @p1 $0x1;
	p0 =	seq.s32 s7, s2  }
0x1e: {  	s7 =	smul.u32 @!p0 $0xF7A, s2;
	p2 =	seq.s32 @!p0 s5, $0x0  }
0x1f: {  	s9 =	smul.u32 $0xF7A, s1;
	s8 =	simm.s32 @!p0 $0x1BF5;
	p2 =	por !p2, p0  }
0x20: {  	[sflag:s8] =	ssyncset.s32 @!p0 $0xFFFFF086;
	s6 =	sadd.s32 @!p0 s3, s7;
	s7 =	simm.s32 @!p0 $0x108  }
0x21: {  	s3 =	sadd.s32 s3, s9;
	s6 =	sadd.s32 @!p0 $0x88, s6;
	s7 =	simm.s32 @p2 $0x1082  }
0x22: {  	[simem:s7], [sflag:s8] =	dma.local @!p0 [hbm:s6], $0xF7A  }
0x23: {  	s9 =	sor.u32 $0xD0000000, s2;
	s6 =	simm.s32 $0x108;
	_ =	swait.ge @!p0 [sflag:s8], $0x0  }
0x24: {  	s3 =	sadd.s32 $0x88, s3;
	s6 =	simm.s32 @!p1 $0x1082;
	[sflag:s4] =	ssyncset.s32 $0xFFFFF086  }
0x25: {  	[simem:s6], [sflag:s4] =	dma.local [hbm:s3], $0xF7A  }
0x26: {  	[smem:$0x3F8C] =	sst s1;
	(tag) =	ssettag s2;
	_ =	strace s9  }
0x27: {  	s1 =	sld [smem:$0x3F9C]  }
0x28: {  	s2 =	sld [smem:$0x3F9D]  }
0x29: {  	s4 =	sld [smem:$0x3F9F]  }
0x2a: {  	p0 =	seq.s32 s5, $0x0;
	s5 =	sld [smem:$0x3FA0]  }
0x2b: {  	s6 =	sld [smem:$0x3FA1]  }
0x2c: {  	s7 =	sld [smem:$0x3FA2]  }
0x2d: {  	s3 =	simm.s32 $0x108;
	s8 =	sld [smem:$0x3FA3]  }
0x2e: {  	s3 =	simm.s32 @!p0 $0x1082;
	s9 =	sld [smem:$0x3FA4]  }
0x2f: {  	lr =	sadd.s32 s0, s3;
	s0 =	sld [smem:$0x3F9B]  }
0x30: {  	s3 =	sld [smem:$0x3F9E]  }
0x31: {  	[smem:$0x3FA7] =	sst s10  }
0x32: {  	s10 =	sld [smem:$0x3FA5];
	_ =	sdelay $0x3  }
0x33: {  	p0 =	seq.s32 s10, $0x1;
	s10 =	sld [smem:$0x3FA7];
	_ =	sdelay $0x3  }
0x34: {  	[smem:$0x3FA7] =	sst s10  }
0x35: {  	s10 =	sld [smem:$0x3FA6];
	_ =	sdelay $0x3  }
0x36: {  	p1 =	seq.s32 s10, $0x1;
	s10 =	sld [smem:$0x3FA7];
	_ =	sdelay $0x3  }
0x37: {  	[smem:$0x3FA7] =	sst s10  }
0x38: {  	s10 =	sld [smem:$0x3FA8]  }
0x39: {  	_ = 	snop;
	(pc) =	sbr.ind lr, $3  }
0x3a: {  	_ = 	snop  }
0x3b: {  	_ = 	snop  }
0x3c: {  	p2 =	seq.s32 s10, $0x1;
	s10 =	sld [smem:$0x3FA7]  }
0x3d: {  	_ =	shalt  }
0x3e: {  	_ =	shalt  }
0x3f: {  	_ =	shalt  }
0x40: {  	_ =	shalt  }
0x41: {  	_ =	shalt  }
0x42: {  	_ =	shalt  }
0x43: {  	_ =	shalt  }
0x44: {  	_ =	shalt  }
0x45: {  	_ =	shalt  }
0x46: {  	_ =	shalt  }
0x47: {  	_ =	shalt  }
0x48: {  	_ =	shalt  }
0x49: {  	_ =	shalt  }
0x4a: {  	_ =	shalt  }
0x4b: {  	_ =	shalt  }
0x4c: {  	_ =	shalt  }
0x4d: {  	_ =	shalt  }
0x4e: {  	_ =	shalt  }
0x4f: {  	_ =	shalt  }
0x50: {  	_ =	shalt  }
0x51: {  	_ =	shalt  }
0x52: {  	_ =	shalt  }
0x53: {  	_ =	shalt  }
0x54: {  	_ =	shalt  }
0x55: {  	_ =	shalt  }
0x56: {  	_ =	shalt  }
0x57: {  	_ =	shalt  }
0x58: {  	_ =	shalt  }
0x59: {  	_ =	shalt  }
0x5a: {  	_ =	shalt  }
0x5b: {  	_ =	shalt  }
0x5c: {  	_ =	shalt  }
0x5d: {  	_ =	shalt  }
0x5e: {  	_ =	shalt  }
0x5f: {  	_ =	shalt  }
0x60: {  	_ =	shalt  }
0x61: {  	_ =	shalt  }
0x62: {  	_ =	shalt  }
0x63: {  	_ =	shalt  }
0x64: {  	_ =	shalt  }
0x65: {  	_ =	shalt  }
0x66: {  	_ =	shalt  }
0x67: {  	_ =	shalt  }
0x68: {  	_ =	shalt  }
0x69: {  	_ =	shalt  }
0x6a: {  	_ =	shalt  }
0x6b: {  	_ =	shalt  }
0x6c: {  	_ =	shalt  }
0x6d: {  	_ =	shalt  }
0x6e: {  	_ =	shalt  }
0x6f: {  	_ =	shalt  }
0x70: {  	_ =	shalt  }
0x71: {  	_ =	shalt  }
0x72: {  	_ =	shalt  }
0x73: {  	_ =	shalt  }
0x74: {  	_ =	shalt  }
0x75: {  	_ =	shalt  }
0x76: {  	_ =	shalt  }
0x77: {  	_ =	shalt  }
0x78: {  	_ =	shalt  }
0x79: {  	_ =	shalt  }
0x7a: {  	_ =	shalt  }
0x7b: {  	_ =	shalt  }
0x7c: {  	_ =	shalt  }
0x7d: {  	_ =	shalt  }
0x7e: {  	_ =	shalt  }
0x7f: {  	_ =	shalt  }
0x80: {  	_ =	shalt  }
0x81: {  	_ =	shalt  }
0x82: {  	_ =	shalt  }
0x83: {  	_ =	shalt  }
0x84: {  	_ =	shalt  }
0x85: {  	_ =	shalt  }
0x86: {  	_ =	shalt  }
0x87: {  	_ =	shalt  }
.Lfunc_end0:
.L_simem_size_0:
called_computation.1_lowered:
.L_overlay_start_0:
0x88: {  	s2 =	sld [smem:$0x3FD9]  }
0x89: {  	s3 =	sld [smem:$0x3FFE];
	_ =	sdelay $0x1  }
0x8a: {  	s1 =	srdreg.scid  }
0x8b: {  	s0 =	sand.u32 $0x1, s1  }
0x8c: {  	s17 =	sshll.u32 s0, $0xA;
	s2 =	sadd.s32 s3, s2  }
0x8d: {  	s2 =	sadd.s32 s2, s17  }
0x8e: {  	[smem:$0x3FB3] =	sst s2  }
0x8f: {  	_ = 	snop  }
0x90: {  	s2 =	sld [smem:$0x3FD0];
	(tm) =	ssettm $0x1  }
0x91: {  	s18 =	sld [smem:$0x3FFB];
	_ =	sdelay $0x3  }
0x92: {  	_ =	strace s18  }
0x93: {  	s3 =	sld [smem:$0x3FFC];
	_ =	sdelay $0x3  }
0x94: {  	_ =	strace s3  }
0x95: {  	s3 =	sld [smem:$0x3FFD];
	_ =	sdelay $0x3  }
0x96: {  	_ =	strace s3  }
0x97: {  	_ =	strace $0x8FFFFFFF  }
0x98: {  	s19 =	sld [smem:$0x3FDB];
	_ =	sdelay $0x1  }
0x99: {  	s4 =	simm.s32 $_scs_section_size  }
0x9a: {  	s5 =	simm.s32 $_size__tile_overlayer_lowered;
	s6 =	simm.s32 $_tile_overlayer_lowered  }
0x9b: {  	s22 =	simm.s32 $0x1BFF;
	s21 =	sshll.u32 s6, $0x1;
	s3 =	sadd.s32 s4, s19  }
0x9c: {  	s7 =	simm.s32 $0x0;
	s20 =	sshll.u32 s5, $0x1;
	s5 =	sadd.s32 s21, s3  }
0x9d: {  	[timem:s7], [sflag:s22] =	dma.local [hbm:s5], s20  }
0x9e: {  	_ =	swait.ge [sflag:s22], s20  }
0x9f: {  	s4 =	ssub.s32 $0x0, s20;
	[sflag:s22] =	ssyncset.done $0x0  }
0xa0: {  	[sflag:s22] =	ssyncadd.s32 s4;
	_ =	sdelay $0x1  }
0xa1: {  	s23 =	simm.s32 $0x1B8B  }
0xa2: {  	_ =	swait.ge [sflag:s23], $0x1  }
0xa3: {  	[sflag:s23] =	ssyncset.done $0x0  }
0xa4: {  	s25 =	simm.s32 $0x1B8E;
	s24 =	sld [smem:$0x3FFE];
	[sflag:s23] =	ssyncadd.s32 $0xFFFFFFFF  }
0xa5: {  	s26 =	simm.s32 $execute0_lowered;
	[smem:$0x3FD2] =	sst s25  }
0xa6: {  	s5 =	sshll.u32 s26, $0x1;
	_ =	strace $0x80000049;
	[dreg:$0x1] =	wrdreg $0xFFFFFFFF  }
0xa7: {  	s28 =	simm.s32 $_size_execute0_lowered;
	s3 =	sadd.s32 s3, s5;
	[dreg:$0x0] =	wrdreg $0x0  }
0xa8: {  	s5 =	sshll.u32 s28, $0x1;
	[dreg:$0x2] =	wrdreg s3  }
0xa9: {  	[dreg:$0x3] =	wrdreg s5  }
0xaa: {  	[dreg:$0x4] =	wrdreg $0xC0  }
0xab: {  	_ =	task [dreg:s7], $0x5FFFF  }
0xac: {  	[dreg:$0x1] =	wrdreg $0xFFFFFFFF  }
0xad: {  	[dreg:$0x0] =	wrdreg $0x60  }
0xae: {  	[dreg:$0x2] =	wrdreg s2  }
0xaf: {  	[dreg:$0x3] =	wrdreg s24  }
0xb0: {  	[dreg:$0x4] =	wrdreg $0x0  }
0xb1: {  	[dreg:$0x5] =	wrdreg $0x9  }
0xb2: {  	_ =	task.clear_ibuf [dreg:s7], $0x6FFFF;
	_ =	strace $0x90000049  }
0xb3: {  	s29 =	simm.s32 $0x9;
	_ =	strace $0x8000004B  }
0xb4: {  	_ =	swait.ge [sflag:s29], $0x1  }
0xb5: {  	[sflag:s29] =	ssyncadd.s32 $0xFFFFFFFF  }
0xb6: {  	_ =	strace $0x9000004B  }
0xb7: {  	_ =	sfence  }
0xb8: {  	s30 =	sld [smem:$0x0];
	_ =	sdelay $0x2  }
0xb9: {  	s31 =	sshll.u32 s1, $0xD;
	s1 =	sshrl.u32 s1, $0x2  }
0xba: {  	s3 =	sand.u32 $0x4000, s31;
	s1 =	sadd.s32 s1, s30  }
0xbb: {  	s0 =	sor.u32 s3, s0;
	s1 =	sshll.u32 s1, $0x11  }
0xbc: {  	s0 =	sor.u32 s1, s0  }
0xbd: {  	s0 =	sadd.s32 $0x8F2B, s0  }
0xbe: {  	[sflag:s0] =	ssyncadd.remote.s32 $0x1  }
0xbf: {  	_ =	sfence.sel $0xFFFF  }
0xc0: {  	[dreg:$0x0] =	wrdreg $0xFFFFFFFF;
	(pc) =	sbr.abs _section_cstart, $3  }
0xc1: {  	[dreg:$0x1] =	wrdreg $0xFFFFFFFF  }
0xc2: {  	_ =	task.clear_ibuf [dreg:s7], $0x2FFFF;
	_ =	strace $0x9FFFFFFF  }
0xc3: {  	(tm) =	ssettm $0x7FFFFFFF  }
tec
execute0_lowered:
.L_overlay_start_1:
0x0: {  	(tag) =	ssettag $0x1  }
0x1: {  	s1 =	rddreg [dreg:$0x0]  }
0x2: {  	s0 =	rddreg [dreg:$0x1]  }
0x3: {  	s2 =	rddreg [dreg:$0x2];
	s3 =	simm.s32 $0x0  }
0x4: {  	s4 =	srdreg.scid;
	s15 =	stileid.u32;
	s30 =	simm.s32 $0x1AFE0  }
0x5: {  	s31 =	simm.s32 $0x7;
	[smem:$0x7FF] =	sst s3;
	s5 =	sadd.s32 $0x12F800, s0  }
0x6: {  	s6 =	sadd.s32 $0x6B2200, s0;
	s7 =	sadd.s32 $0xEC00, s0;
	s4 =	sand.u32 $0x1, s4  }
0x7: {  	s8 =	sadd.s32 $0x4E00, s0;
	s11 =	smul.u32 $0x15F90, s15;
	s0 =	sadd.s32 $0x18A00, s0  }
0x8: {  	s12 =	smul.u32 $0x57E40, s15;
	_ =	strace $0x8000004A;
	s9 =	ssub.s32 $0x2, s4  }
0x9: {  	s13 =	smul.u32 $0x15F900, s4;
	s10 =	sshrl.u32 s9, $0x1;
	s25 =	sadd.s32 $0x15180, s11  }
0xa: {  	s12 =	sshrl.u32 s12, $0x2;
	s14 =	ssub.s32 s9, s10;
	s9 =	sadd.s32 s25, s2  }
0xb: {  	s12 =	sadd.s32 s12, s2;
	s29 =	smax.u32 s14, $0x1;
	[dreg:$0x4] =	wrdreg s9  }
0xc: {  	s4 =	sshll.u32 s4, $0x4;
	s14 =	sadd.s32 $0x1680, s12;
	[dreg:$0x6] =	wrdreg s29  }
0xd: {  	s4 =	sor.u32 s15, s4;
	s15 =	sadd.s32 $0x2D00, s12;
	[dreg:$0x7] =	wrdreg s14  }
0xe: {  	s10 =	sadd.s32 s13, s25;
	s16 =	sadd.s32 $0x4380, s12;
	[dreg:$0x8] =	wrdreg s15  }
0xf: {  	s21 =	sadd.s32 s11, s13;
	s17 =	sadd.s32 $0x5A00, s12;
	[dreg:$0x9] =	wrdreg s16  }
0x10: {  	s11 =	simm.s32 $0x19BE0;
	s18 =	sadd.s32 $0x7080, s12;
	[dreg:$0xa] =	wrdreg s17  }
0x11: {  	s13 =	simm.s32 $0x4;
	s19 =	sadd.s32 $0x8700, s12;
	[dreg:$0xb] =	wrdreg s18  }
0x12: {  	s26 =	sshrl.u32 s10, $0x3;
	s20 =	sadd.s32 $0x9D80, s12;
	[dreg:$0xc] =	wrdreg s19  }
0x13: {  	s10 =	smul.u32 $0x2710, s4;
	s22 =	sadd.s32 $0xB400, s12;
	[dreg:$0xd] =	wrdreg s20  }
0x14: {  	s23 =	sadd.s32 $0xCA80, s12;
	s4 =	sshrl.u32 s21, $0x3;
	[dreg:$0xe] =	wrdreg s22  }
0x15: {  	s24 =	sadd.s32 $0xE100, s12;
	s25 =	sadd.s32 $0xF780, s12;
	[dreg:$0xf] =	wrdreg s23  }
0x16: {  	s28 =	sadd.s32 s0, s26;
	[dreg:$0x10] =	wrdreg s24;
	s24 =	sadd.s32 s4, s0  }
0x17: {  	[dreg:$0x11] =	wrdreg s25;
	s26 =	sadd.s32 $0x10E00, s12;
	s29 =	sadd.s32 $0x13B00, s12  }
0x18: {  	s0 =	simm.s32 $0x15F90;
	s4 =	simm.s32 $0x15FB8;
	s14 =	simm.s32 $0x5  }
0x19: {  	s15 =	simm.s32 $0x28;
	s16 =	simm.s32 $0x15FE0;
	[dreg:$0x5] =	wrdreg s28  }
0x1a: {  	s17 =	simm.s32 $0x187E0;
	s18 =	simm.s32 $0x1;
	[dreg:$0x12] =	wrdreg s26  }
0x1b: {  	s19 =	simm.s32 $0x2;
	s28 =	sadd.s32 $0x12480, s12;
	[dreg:$0x14] =	wrdreg s29  }
0x1c: {  	v0 =	vimm.f32 $0.0e+00;
	vm0 =	vcmask $0x3F08;
	vm1 =	vmmov $0x1;
	s20 =	simm.s32 $0x3;
	s22 =	simm.s32 $0x0;
	[dreg:$0x13] =	wrdreg s28  }
.LBB2_1:
0x1d: {  	s21 =	simm.s32 $0x0;
	s23 =	simm.s32 $0x240  }
.LBB2_2:
0x1e: {  	p0 =	sne.s32 s23, $0x57C0;
	[tilespmem:s21+$0x1B060] =	vst v0  }
0x1f: {  	[tilespmem:s21+$0x1AFE0] =	vst v0  }
0x20: {  	[tilespmem:s21+$0x1AFF0] =	vst v0  }
0x21: {  	[tilespmem:s21+$0x1B000] =	vst v0  }
.Ltmp0:
0x22: {  	[tilespmem:s21+$0x1B010] =	vst v0;
	(pc) =	sbr.rel @p0 .LBB2_2-.Ltmp0, $4  }
0x23: {  	[tilespmem:s21+$0x1B020] =	vst v0  }
0x24: {  	[tilespmem:s21+$0x1B030] =	vst v0  }
0x25: {  	[tilespmem:s21+$0x1B040] =	vst v0  }
0x26: {  	[tilespmem:s21+$0x1B050] =	vst v0;
	s21 =	sshra.s32 s23, $0x2;
	s23 =	sadd.s32 $0x240, s23  }
0x27: {  	[tilespmem:s21+$0x1B060] =	vst v0  }
0x28: {  	[tilespmem:s21+$0x1AFE0] =	vst v0  }
0x29: {  	[tilespmem:s21+$0x1AFF0] =	vst v0  }
0x2a: {  	[tilespmem:s21+$0x1B000] =	vst v0  }
0x2b: {  	[tilespmem:s21+$0x1B010] =	vst v0  }
0x2c: {  	[tilespmem:s21+$0x1B020] =	vst v0  }
0x2d: {  	[tilespmem:s21+$0x1B030] =	vst v0  }
0x2e: {  	[tilespmem:s21+$0x1B040] =	vst v0  }
0x2f: {  	[tilespmem:s21+$0x1B050] =	vst v0  }
0x30: {  	[spmem:s12] =	stream.linear.scatter [tilespmem:s30], [sflag:$0x7], $0x1680, $0x38;
	[tilespmem:$0x1C660] =	vst v63  }
0x31: {  	_ =	swait.ge [sflag:s31], $0x1680  }
0x32: {  	[sflag:s31] =	ssyncset.done $0x0  }
0x33: {  	s25 =	rddreg [dreg:$0x7];
	[sflag:s31] =	ssyncadd.s32 $0xFFFFE980  }
0x34: {  	[spmem:s25] =	stream.linear.scatter [tilespmem:s30], [sflag:$0x7], $0x1680, $0x38;
	[tilespmem:$0x1C660] =	vst v63  }
0x35: {  	_ =	swait.ge [sflag:s31], $0x1680  }
0x36: {  	[sflag:s31] =	ssyncset.done $0x0  }
0x37: {  	s26 =	rddreg [dreg:$0x8];
	[sflag:s31] =	ssyncadd.s32 $0xFFFFE980  }
0x38: {  	[spmem:s26] =	stream.linear.scatter [tilespmem:s30], [sflag:$0x7], $0x1680, $0x38;
	[tilespmem:$0x1C660] =	vst v63  }
0x39: {  	_ =	swait.ge [sflag:s31], $0x1680  }
0x3a: {  	[sflag:s31] =	ssyncset.done $0x0  }
0x3b: {  	s28 =	rddreg [dreg:$0x9];
	[sflag:s31] =	ssyncadd.s32 $0xFFFFE980  }
0x3c: {  	[spmem:s28] =	stream.linear.scatter [tilespmem:s30], [sflag:$0x7], $0x1680, $0x38;
	[tilespmem:$0x1C660] =	vst v63  }
0x3d: {  	_ =	swait.ge [sflag:s31], $0x1680  }
0x3e: {  	[sflag:s31] =	ssyncset.done $0x0  }
0x3f: {  	s29 =	rddreg [dreg:$0xa];
	[sflag:s31] =	ssyncadd.s32 $0xFFFFE980  }
0x40: {  	[spmem:s29] =	stream.linear.scatter [tilespmem:s30], [sflag:$0x7], $0x1680, $0x38;
	[tilespmem:$0x1C660] =	vst v63  }
0x41: {  	_ =	swait.ge [sflag:s31], $0x1680  }
0x42: {  	[sflag:s31] =	ssyncset.done $0x0  }
0x43: {  	s23 =	rddreg [dreg:$0xb];
	[sflag:s31] =	ssyncadd.s32 $0xFFFFE980  }
0x44: {  	[spmem:s23] =	stream.linear.scatter [tilespmem:s30], [sflag:$0x7], $0x1680, $0x38;
	[tilespmem:$0x1C660] =	vst v63  }
0x45: {  	_ =	swait.ge [sflag:s31], $0x1680  }
0x46: {  	[sflag:s31] =	ssyncset.done $0x0  }
0x47: {  	s25 =	rddreg [dreg:$0xc];
	[sflag:s31] =	ssyncadd.s32 $0xFFFFE980  }
0x48: {  	[spmem:s25] =	stream.linear.scatter [tilespmem:s30], [sflag:$0x7], $0x1680, $0x38;
	[tilespmem:$0x1C660] =	vst v63  }
0x49: {  	_ =	swait.ge [sflag:s31], $0x1680  }
0x4a: {  	[sflag:s31] =	ssyncset.done $0x0  }
0x4b: {  	s26 =	rddreg [dreg:$0xd];
	[sflag:s31] =	ssyncadd.s32 $0xFFFFE980  }
0x4c: {  	[spmem:s26] =	stream.linear.scatter [tilespmem:s30], [sflag:$0x7], $0x1680, $0x38;
	[tilespmem:$0x1C660] =	vst v63  }
0x4d: {  	_ =	swait.ge [sflag:s31], $0x1680  }
0x4e: {  	[sflag:s31] =	ssyncset.done $0x0  }
0x4f: {  	s28 =	rddreg [dreg:$0xe];
	[sflag:s31] =	ssyncadd.s32 $0xFFFFE980  }
0x50: {  	[spmem:s28] =	stream.linear.scatter [tilespmem:s30], [sflag:$0x7], $0x1680, $0x38;
	[tilespmem:$0x1C660] =	vst v63  }
0x51: {  	_ =	swait.ge [sflag:s31], $0x1680  }
0x52: {  	[sflag:s31] =	ssyncset.done $0x0  }
0x53: {  	s29 =	rddreg [dreg:$0xf];
	[sflag:s31] =	ssyncadd.s32 $0xFFFFE980  }
0x54: {  	[spmem:s29] =	stream.linear.scatter [tilespmem:s30], [sflag:$0x7], $0x1680, $0x38;
	[tilespmem:$0x1C660] =	vst v63  }
0x55: {  	_ =	swait.ge [sflag:s31], $0x1680  }
0x56: {  	[sflag:s31] =	ssyncset.done $0x0  }
0x57: {  	s23 =	rddreg [dreg:$0x10];
	[sflag:s31] =	ssyncadd.s32 $0xFFFFE980  }
0x58: {  	[spmem:s23] =	stream.linear.scatter [tilespmem:s30], [sflag:$0x7], $0x1680, $0x38;
	[tilespmem:$0x1C660] =	vst v63  }
0x59: {  	_ =	swait.ge [sflag:s31], $0x1680  }
0x5a: {  	[sflag:s31] =	ssyncset.done $0x0  }
0x5b: {  	s25 =	rddreg [dreg:$0x11];
	[sflag:s31] =	ssyncadd.s32 $0xFFFFE980  }
0x5c: {  	[spmem:s25] =	stream.linear.scatter [tilespmem:s30], [sflag:$0x7], $0x1680, $0x38;
	[tilespmem:$0x1C660] =	vst v63  }
0x5d: {  	_ =	swait.ge [sflag:s31], $0x1680  }
0x5e: {  	[sflag:s31] =	ssyncset.done $0x0  }
0x5f: {  	s26 =	rddreg [dreg:$0x12];
	[sflag:s31] =	ssyncadd.s32 $0xFFFFE980  }
0x60: {  	[spmem:s26] =	stream.linear.scatter [tilespmem:s30], [sflag:$0x7], $0x1680, $0x38;
	[tilespmem:$0x1C660] =	vst v63  }
0x61: {  	_ =	swait.ge [sflag:s31], $0x1680  }
0x62: {  	[sflag:s31] =	ssyncset.done $0x0  }
0x63: {  	s28 =	rddreg [dreg:$0x13];
	[sflag:s31] =	ssyncadd.s32 $0xFFFFE980  }
0x64: {  	[spmem:s28] =	stream.linear.scatter [tilespmem:s30], [sflag:$0x7], $0x1680, $0x38;
	[tilespmem:$0x1C660] =	vst v63  }
0x65: {  	_ =	swait.ge [sflag:s31], $0x1680  }
0x66: {  	[sflag:s31] =	ssyncset.done $0x0  }
0x67: {  	s29 =	rddreg [dreg:$0x14];
	[sflag:s31] =	ssyncadd.s32 $0xFFFFE980  }
0x68: {  	[spmem:s29] =	stream.linear.scatter [tilespmem:s30], [sflag:$0x7], $0x1680, $0x38;
	[tilespmem:$0x1C660] =	vst v63  }
0x69: {  	_ =	swait.ge [sflag:s31], $0x1680  }
0x6a: {  	[sflag:s31] =	ssyncset.done $0x0  }
0x6b: {  	[sflag:s31] =	ssyncadd.s32 $0xFFFFE980  }
0x6c: {  	[spmem:s9] =	stream.linear.scatter [tilespmem:s30], [sflag:$0x7], $0xE10, $0x38;
	[tilespmem:$0x1C660] =	vst v63  }
0x6d: {  	_ =	swait.ge [sflag:s31], $0xE10  }
0x6e: {  	[sflag:s31] =	ssyncset.done $0x0  }
0x6f: {  	[sflag:s31] =	ssyncadd.s32 $0xFFFFF1F0  }
0x70: {  	s23 =	simm.s32 $0x0;
	[bflag:$0x0] =	sbarrier.arrive $0xFFFF  }
.LBB2_4:
0x71: {  	s21 =	smul.u32 $0x28, s23;
	_ =	sdelay $0x1  }
0x72: {  	s21 =	sadd.s32 s10, s21  }
0x73: {  	s25 =	sshrl.u32 s21, $0x3  }
0x74: {  	s26 =	sadd.s32 s7, s25  }
0x75: {  	[tilespmem:s0], [sflag:$0x4] =	stream.linear.gather [hbm4b:s26+s3], $0x28, $0x38;
	[tilespmem:$0x1C660] =	vst v63  }
0x76: {  	s21 =	sshll.u32 s21, $0x4;
	s25 =	sadd.s32 s8, s25  }
0x77: {  	[tilespmem:s4], [sflag:$0x5] =	stream.linear.gather [hbm4b:s25+s3], $0x28, $0x38;
	[tilespmem:$0x1C660] =	vst v63  }
0x78: {  	s21 =	sadd.s32 s6, s21  }
0x79: {  	[tilespmem:s11], [sflag:$0x3] =	stream.linear.gather [hbm4b:s21+s3], $0x1400, $0x38;
	[tilespmem:$0x1C660] =	vst v63  }
0x7a: {  	_ =	swait.ge [sflag:s13], $0x28  }
0x7b: {  	[sflag:s13] =	ssyncset.done $0x0  }
0x7c: {  	[sflag:s13] =	ssyncadd.s32 $0xFFFFFFD8  }
0x7d: {  	_ =	swait.ge [sflag:s14], $0x28  }
0x7e: {  	[sflag:s14] =	ssyncset.done $0x0  }
0x7f: {  	p0 =	seq.s32 s23, $0x0;
	[sflag:s14] =	ssyncadd.s32 $0xFFFFFFD8  }
0x80: {  	[tilespmem:s16], [sflag:$0x1] =	stream.indirect.gather [hbm4b:s5+s15], $0x100, s0, s15, $0xb8;
	[tilespmem:$0x1C660] =	vst v63  }
0x81: {  	s21 =	simm.s32 @!p0 $0x6  }
0x82: {  	[tilespmem:s17], [sflag:$0x2] =	stream.indirect.gather [hbm4b:s1+s15], $0x80, s4, s15, $0xb8;
	[tilespmem:$0x1C660] =	vst v63  }
0x83: {  	_ =	swait.ge @!p0 [sflag:s21], $0x1680  }
0x84: {  	[sflag:s21] =	ssyncset.done @!p0 $0x0  }
0x85: {  	[sflag:s21] =	ssyncadd.s32 @!p0 $0xFFFFE980  }
0x86: {  	_ =	swait.ge [sflag:s18], $0x2800  }
0x87: {  	[sflag:s18] =	ssyncset.done $0x0  }
0x88: {  	[sflag:s18] =	ssyncadd.s32 $0xFFFFD800  }
0x89: {  	_ =	swait.ge [sflag:s19], $0x1400  }
0x8a: {  	[sflag:s19] =	ssyncset.done $0x0  }
0x8b: {  	[sflag:s19] =	ssyncadd.s32 $0xFFFFEC00  }
0x8c: {  	s28 =	simm.s32 $0x19C60;
	_ =	swait.ge [sflag:s20], $0x1400  }
0x8d: {  	s29 =	simm.s32 $0x160E0;
	s26 =	simm.s32 $0x18860;
	[sflag:s20] =	ssyncset.done $0x0  }
0x8e: {  	s25 =	simm.s32 $0xFFFFFFFE;
	s21 =	simm.s32 $0x1B070;
	[sflag:s20] =	ssyncadd.s32 $0xFFFFEC00  }
.LBB2_5:
0x8f: {  	v1 =	vld [tilespmem:s29+$0xFFFFFF00]  }
0x90: {  	v2 =	vld [tilespmem:s29+$0xFFFFFF10]  }
0x91: {  	v3 =	vld [tilespmem:s29+$0xFFFFFF20]  }
0x92: {  	v4 =	vld [tilespmem:s29+$0xFFFFFF30]  }
0x93: {  	v5 =	vld [tilespmem:s29+$0xFFFFFF40]  }
0x94: {  	v6 =	vld [tilespmem:s29+$0xFFFFFF50]  }
0x95: {  	v7 =	vld [tilespmem:s29+$0xFFFFFF60]  }
0x96: {  	v8 =	vld [tilespmem:s29+$0xFFFFFF70]  }
0x97: {  	v9 =	vld [tilespmem:s26+$0xFFFFFF80]  }
0x98: {  	v10 =	vld [tilespmem:s26+$0xFFFFFF90]  }
0x99: {  	v11 =	vld [tilespmem:s26+$0xFFFFFFA0]  }
0x9a: {  	v12 =	vld [tilespmem:s26+$0xFFFFFFB0]  }
0x9b: {  	v13 =	vld [tilespmem:s26+$0xFFFFFFC0]  }
0x9c: {  	v14 =	vld [tilespmem:s28+$0xFFFFFF80]  }
0x9d: {  	v15 =	vld [tilespmem:s28+$0xFFFFFF90]  }
0x9e: {  	v16 =	vld [tilespmem:s28+$0xFFFFFFA0]  }
0x9f: {  	v17 =	vld [tilespmem:s28+$0xFFFFFFB0]  }
0xa0: {  	v18 =	vld [tilespmem:s28+$0xFFFFFFC0]  }
0xa1: {  	v19 =	vld [tilespmem:s28+$0xFFFFFFD0]  }
0xa2: {  	v20 =	vld [tilespmem:s28+$0xFFFFFFE0];
	v1 =	vadd.f32 v14, v1;
	v2 =	vadd.f32 v15, v2  }
0xa3: {  	v21 =	vld [tilespmem:s26+$0xFFFFFFD0]  }
0xa4: {  	v22 =	vld [tilespmem:s28+$0xFFFFFFF0];
	v3 =	vadd.f32 v16, v3;
	v1 =	vmul.f32 v1, v9;
	v2 =	vmul.f32 v2, v10  }
0xa5: {  	v63 =	vld [tilespmem:s26+$0xFFFFFFE0];
	v4 =	vadd.f32 v17, v4;
	v5 =	vadd.f32 v18, v5  }
0xa6: {  	v6 =	vadd.f32 v19, v6;
	v1 =	vadd.f32 v2, v1;
	v2 =	vmul.f32 v3, v11  }
0xa7: {  	v7 =	vadd.f32 v20, v7;
	v4 =	vmul.f32 v4, v12;
	v3 =	vld [tilespmem:s26+$0xFFFFFFF0]  }
0xa8: {  	v12 =	vmul.f32 v6, v21;
	v1 =	vadd.f32 v2, v1;
	v2 =	vmul.f32 v5, v13  }
0xa9: {  	v13 =	vadd.f32 v22, v8  }
0xaa: {  	v21 =	vmul.f32 v7, v63;
	v1 =	vadd.f32 v4, v1;
	v2 =	vadd.f32 v12, v2;
	_ =	sdelay $0x1  }
0xab: {  	v3 =	vmul.f32 v13, v3;
	v2 =	vadd.f32 v21, v2;
	(xrf2) =	vadd.scan.msk.f32 $0xffff, v1;
	_ =	sdelay $0x1  }
0xac: {  	v1 =	vadd.f32 v3, v2;
	_ =	sdelay $0x1  }
0xad: {  	(xrf2) =	vadd.scan.msk.f32 $0xffff, v1;
	_ =	sdelay $0x5  }
0xae: {  	v1, _, _ =	vpop (xrf2)  }
0xaf: {  	(v2sf) =	vpush v1, $0xF;
	_ =	sdelay $0x2  }
0xb0: {  	v1, _, _ =	vpop (xrf2)  }
0xb1: {  	(v2sf) =	vpush v1, $0xF;
	_ =	sdelay $0xa  }
0xb2: {  	s9 =	spop (v2sf)  }
0xb3: {  	s9 =	smul.f32 $1.250000000e-01, s9;
	_ =	sdelay $0x1  }
0xb4: {  	v1 =	vmov s9  }
0xb5: {  	s9 =	spop (v2sf);
	v1 =	vmul.f32 $1.442695020e+00, v1  }
0xb6: {  	s9 =	smul.f32 $1.250000000e-01, s9  }
0xb7: {  	v1 =	vbroadcast v1, $0x0  }
0xb8: {  	v2 =	vmov s9  }
0xb9: {  	(erf) = vpow2.f32 v1;
	v1 =	vmul.f32 $1.442695020e+00, v2;
	_ =	sdelay $0x1  }
0xba: {  	v1 =	vbroadcast v1, $0x0  }
0xbb: {  	v2 =	vld [tilespmem:s29+$0xFFFFFF80]  }
0xbc: {  	v3 =	vld [tilespmem:s29+$0xFFFFFF90];
	(erf) = vpow2.f32 v1  }
0xbd: {  	v1 =	vld [tilespmem:s29+$0xFFFFFFA0]  }
0xbe: {  	v23 =	vld [tilespmem:s29+$0xFFFFFFB0]  }
0xbf: {  	v24 =	vld [tilespmem:s29+$0xFFFFFFC0]  }
0xc0: {  	v25 =	vld [tilespmem:s29+$0xFFFFFFD0];
	v2 =	vadd.f32 v14, v2  }
0xc1: {  	v26 =	vld [tilespmem:s29+$0xFFFFFFE0];
	v3 =	vadd.f32 v15, v3;
	v27 =	vpop (erf)  }
0xc2: {  	v28 =	vld [tilespmem:s29+$0xFFFFFFF0];
	v1 =	vadd.f32 v16, v1;
	v2 =	vmul.f32 v27, v2  }
0xc3: {  	v4 =	vadd.f32 v17, v23;
	v3 =	vmul.f32 v27, v3  }
0xc4: {  	v1 =	vmul.f32 v27, v1;
	[tilespmem:s21+$0xFFFFFF70] =	vst v2;
	v2 =	vadd.f32 v18, v24  }
0xc5: {  	v30 =	vadd.f32 v19, v25;
	[tilespmem:s21+$0xFFFFFF80] =	vst v3;
	v3 =	vmul.f32 v27, v4;
	v29 =	vpop (erf)  }
0xc6: {  	[tilespmem:s21+$0xFFFFFF90] =	vst v1;
	v1 =	vmul.f32 v29, v2;
	v2 =	vadd.f32 v20, v26  }
0xc7: {  	v31 =	vadd.f32 v22, v28;
	[tilespmem:s21+$0xFFFFFFA0] =	vst v3;
	v3 =	vmul.f32 v29, v30  }
0xc8: {  	[tilespmem:s21+$0xFFFFFFB0] =	vst v1;
	v1 =	vmul.f32 v29, v2  }
0xc9: {  	[tilespmem:s21+$0xFFFFFFC0] =	vst v3;
	v2 =	vmul.f32 v29, v31  }
0xca: {  	[tilespmem:s21+$0xFFFFFFD0] =	vst v1;
	v1 =	vsel vm0, $0x0, v29  }
0xcb: {  	[tilespmem:s21+$0xFFFFFFE0] =	vst v2;
	v1 =	vsel vm1, v27, v1  }
0xcc: {  	[tilespmem:s21+$0xFFFFFFF0] =	vst v1  }
0xcd: {  	v1 =	vld [tilespmem:s29+$0x0]  }
0xce: {  	v2 =	vld [tilespmem:s29+$0x10]  }
0xcf: {  	v3 =	vld [tilespmem:s29+$0x20]  }
0xd0: {  	v32 =	vld [tilespmem:s29+$0x30]  }
0xd1: {  	v33 =	vld [tilespmem:s29+$0x40]  }
0xd2: {  	v34 =	vld [tilespmem:s29+$0x50]  }
0xd3: {  	v35 =	vld [tilespmem:s29+$0x60]  }
0xd4: {  	v36 =	vld [tilespmem:s29+$0x70]  }
0xd5: {  	v37 =	vld [tilespmem:s26+$0x0]  }
0xd6: {  	v38 =	vld [tilespmem:s26+$0x10]  }
0xd7: {  	v39 =	vld [tilespmem:s26+$0x20]  }
0xd8: {  	v40 =	vld [tilespmem:s26+$0x30]  }
0xd9: {  	v41 =	vld [tilespmem:s26+$0x40]  }
0xda: {  	v42 =	vld [tilespmem:s28+$0x0]  }
0xdb: {  	v43 =	vld [tilespmem:s28+$0x10]  }
0xdc: {  	v44 =	vld [tilespmem:s28+$0x20]  }
0xdd: {  	v45 =	vld [tilespmem:s28+$0x30]  }
0xde: {  	v46 =	vld [tilespmem:s28+$0x40]  }
0xdf: {  	v47 =	vld [tilespmem:s28+$0x50]  }
0xe0: {  	v48 =	vld [tilespmem:s28+$0x60];
	v1 =	vadd.f32 v42, v1;
	v2 =	vadd.f32 v43, v2  }
0xe1: {  	v49 =	vld [tilespmem:s26+$0x50]  }
0xe2: {  	v50 =	vld [tilespmem:s28+$0x70];
	v3 =	vadd.f32 v44, v3;
	v1 =	vmul.f32 v1, v37;
	v2 =	vmul.f32 v2, v38  }
0xe3: {  	v51 =	vld [tilespmem:s26+$0x60];
	v4 =	vadd.f32 v45, v32;
	v5 =	vadd.f32 v46, v33  }
0xe4: {  	v6 =	vadd.f32 v47, v34;
	v1 =	vadd.f32 v2, v1;
	v2 =	vmul.f32 v3, v39  }
0xe5: {  	v7 =	vadd.f32 v48, v35;
	v4 =	vmul.f32 v4, v40;
	v3 =	vld [tilespmem:s26+$0x70]  }
0xe6: {  	v52 =	vmul.f32 v6, v49;
	v1 =	vadd.f32 v2, v1;
	v2 =	vmul.f32 v5, v41  }
0xe7: {  	v53 =	vadd.f32 v50, v36  }
0xe8: {  	v54 =	vmul.f32 v7, v51;
	v1 =	vadd.f32 v4, v1;
	v2 =	vadd.f32 v52, v2;
	_ =	sdelay $0x1  }
0xe9: {  	v3 =	vmul.f32 v53, v3;
	v2 =	vadd.f32 v54, v2;
	(xrf2) =	vadd.scan.msk.f32 $0xffff, v1;
	_ =	sdelay $0x1  }
0xea: {  	v1 =	vadd.f32 v3, v2;
	_ =	sdelay $0x1  }
0xeb: {  	(xrf2) =	vadd.scan.msk.f32 $0xffff, v1;
	_ =	sdelay $0x5  }
0xec: {  	v1, _, _ =	vpop (xrf2)  }
0xed: {  	(v2sf) =	vpush v1, $0xF;
	_ =	sdelay $0x2  }
0xee: {  	v1, _, _ =	vpop (xrf2)  }
0xef: {  	(v2sf) =	vpush v1, $0xF;
	_ =	sdelay $0xa  }
0xf0: {  	s9 =	spop (v2sf)  }
0xf1: {  	s9 =	smul.f32 $1.250000000e-01, s9;
	_ =	sdelay $0x1  }
0xf2: {  	v1 =	vmov s9  }
0xf3: {  	s9 =	spop (v2sf);
	v1 =	vmul.f32 $1.442695020e+00, v1  }
0xf4: {  	s9 =	smul.f32 $1.250000000e-01, s9  }
0xf5: {  	v1 =	vbroadcast v1, $0x0  }
0xf6: {  	v2 =	vmov s9  }
0xf7: {  	(erf) = vpow2.f32 v1;
	v1 =	vmul.f32 $1.442695020e+00, v2;
	_ =	sdelay $0x1  }
0xf8: {  	v1 =	vbroadcast v1, $0x0  }
0xf9: {  	v2 =	vld [tilespmem:s29+$0x80]  }
0xfa: {  	v3 =	vld [tilespmem:s29+$0x90];
	(erf) = vpow2.f32 v1  }
0xfb: {  	v1 =	vld [tilespmem:s29+$0xA0]  }
0xfc: {  	v55 =	vld [tilespmem:s29+$0xB0]  }
0xfd: {  	v56 =	vld [tilespmem:s29+$0xC0]  }
0xfe: {  	v57 =	vld [tilespmem:s29+$0xD0];
	v2 =	vadd.f32 v42, v2  }
0xff: {  	v59 =	vld [tilespmem:s29+$0xE0];
	v3 =	vadd.f32 v43, v3;
	v58 =	vpop (erf)  }
0x100: {  	v60 =	vld [tilespmem:s29+$0xF0];
	v1 =	vadd.f32 v44, v1;
	v2 =	vmul.f32 v58, v2  }
0x101: {  	v4 =	vadd.f32 v45, v55;
	v3 =	vmul.f32 v58, v3  }
0x102: {  	v1 =	vmul.f32 v58, v1;
	[tilespmem:s21+$0x0] =	vst v2;
	v2 =	vadd.f32 v46, v56  }
0x103: {  	v62 =	vadd.f32 v47, v57;
	[tilespmem:s21+$0x10] =	vst v3;
	v3 =	vmul.f32 v58, v4;
	v61 =	vpop (erf)  }
0x104: {  	s25 =	sadd.s32 $0x2, s25;
	[tilespmem:s21+$0x20] =	vst v1;
	v1 =	vmul.f32 v61, v2;
	v2 =	vadd.f32 v48, v59  }
0x105: {  	p0 =	slt.u32 s25, $0x26;
	v63 =	vadd.f32 v50, v60;
	[tilespmem:s21+$0x30] =	vst v3;
	v3 =	vmul.f32 v61, v62  }
.Ltmp1:
0x106: {  	[tilespmem:s21+$0x40] =	vst v1;
	v1 =	vmul.f32 v61, v2;
	(pc) =	sbr.rel @p0 .LBB2_5-.Ltmp1, $4  }
0x107: {  	[tilespmem:s21+$0x50] =	vst v3;
	v2 =	vmul.f32 v61, v63  }
0x108: {  	[tilespmem:s21+$0x60] =	vst v1;
	v1 =	vsel vm0, $0x0, v61  }
0x109: {  	s28 =	sadd.s32 $0x100, s28;
	[tilespmem:s21+$0x70] =	vst v2;
	v1 =	vsel vm1, v58, v1  }
0x10a: {  	s26 =	sadd.s32 $0x100, s26;
	s29 =	sadd.s32 $0x200, s29;
	[tilespmem:s21+$0x80] =	vst v1;
	s21 =	sadd.s32 $0x120, s21  }
0x10b: {  	s23 =	sadd.s32 $0x1, s23  }
0x10c: {  	p0 =	sne.s32 s23, $0xFA  }
.Ltmp2:
0x10d: {  	_ = 	snop;
	(pc) =	sbr.rel @p0 .LBB2_4-.Ltmp2, $2  }
0x10e: {  	_ =	sdelay $0x2  }
0x10f: {  	[spmem:s2] =	stream.indirect.scatter.add.f32 [tilespmem:s30], [sflag:$0x6], $0x90, s4, s15, $0xb8;
	[tilespmem:$0x1C660] =	vst v63  }
0x110: {  	s9 =	simm.s32 $0x6  }
0x111: {  	_ =	swait.ge [sflag:s9], $0x1680  }
0x112: {  	[sflag:s9] =	ssyncset.done $0x0  }
0x113: {  	[sflag:s9] =	ssyncadd.s32 $0xFFFFE980  }
0x114: {  	[bflag:$0x0] =	sbarrier.arrive $0xFFFF  }
0x115: {  	[tilespmem:s30], [sflag:$0x7] =	stream.linear.gather [spmem:s12], $0x1680, $0x38;
	[tilespmem:$0x1C660] =	vst v63  }
0x116: {  	_ =	swait.ge [sflag:s31], $0x1680  }
0x117: {  	[sflag:s31] =	ssyncset.done $0x0  }
0x118: {  	s29 =	sadd.s32 $0x0, s24;
	[sflag:s31] =	ssyncadd.s32 $0xFFFFE980  }
0x119: {  	[hbm4b:s29+s3] =	stream.linear.scatter [tilespmem:s30], [sflag:$0x7], $0x1680, $0x38;
	[tilespmem:$0x1C660] =	vst v63  }
0x11a: {  	_ =	swait.ge [sflag:s31], $0x1680  }
0x11b: {  	s21 =	simm.s32 $0x2D0;
	s23 =	smov.u32 s12;
	[sflag:s31] =	ssyncset.done $0x0  }
.LBB2_8:
0x11c: {  	p0 =	sne.s32 s21, $0x2760;
	[sflag:s31] =	ssyncadd.s32 $0xFFFFE980;
	s23 =	sadd.s32 $0x1680, s23  }
0x11d: {  	[tilespmem:s30], [sflag:$0x7] =	stream.linear.gather [spmem:s23], $0x1680, $0x38;
	[tilespmem:$0x1C660] =	vst v63  }
0x11e: {  	s9 =	smov.u32 s21;
	s21 =	sadd.s32 $0x2D0, s21;
	_ =	swait.ge [sflag:s31], $0x1680  }
.Ltmp3:
0x11f: {  	[sflag:s31] =	ssyncset.done $0x0;
	(pc) =	sbr.rel @p0 .LBB2_8-.Ltmp3, $4  }
0x120: {  	s9 =	sadd.s32 s9, s24;
	[sflag:s31] =	ssyncadd.s32 $0xFFFFE980  }
0x121: {  	[hbm4b:s9+s3] =	stream.linear.scatter [tilespmem:s30], [sflag:$0x7], $0x1680, $0x38;
	[tilespmem:$0x1C660] =	vst v63  }
0x122: {  	_ =	swait.ge [sflag:s31], $0x1680  }
0x123: {  	[sflag:s31] =	ssyncset.done $0x0  }
0x124: {  	[sflag:s31] =	ssyncadd.s32 $0xFFFFE980;
	s9 =	rddreg [dreg:$0x4]  }
0x125: {  	[tilespmem:s30], [sflag:$0x7] =	stream.linear.gather [spmem:s9], $0xE10, $0x38;
	[tilespmem:$0x1C660] =	vst v63  }
0x126: {  	_ =	swait.ge [sflag:s31], $0xE10  }
0x127: {  	[sflag:s31] =	ssyncset.done $0x0  }
0x128: {  	s21 =	rddreg [dreg:$0x5];
	[sflag:s31] =	ssyncadd.s32 $0xFFFFF1F0  }
0x129: {  	[hbm4b:s21+s3] =	stream.linear.scatter [tilespmem:s30], [sflag:$0x7], $0xE10, $0x38;
	[tilespmem:$0x1C660] =	vst v63  }
0x12a: {  	_ =	swait.ge [sflag:s31], $0xE10  }
0x12b: {  	s22 =	sadd.s32 $0x1, s22;
	s29 =	rddreg [dreg:$0x6]  }
0x12c: {  	p0 =	sne.s32 s22, s29  }
.Ltmp4:
0x12d: {  	_ = 	snop;
	(pc) =	sbr.rel @p0 .LBB2_1-.Ltmp4, $3  }
0x12e: {  	_ =	sdelay $0x1  }
0x12f: {  	[sflag:s31] =	ssyncset.done $0x0  }
0x130: {  	[sflag:s31] =	ssyncadd.s32 $0xFFFFF1F0  }
0x131: {  	_ =	sfence.sel $0x180000  }
0x132: {  	[bflag:$0x0] =	sbarrier.arrive $0xFFFF  }
0x133: {  	_ =	strace $0x9000004A  }
0x134: {  	s0 =	stileid.u32;
	[bflag:$0x2] =	sbarrier.arrive $0xFFFF  }
0x135: {  	p0 =	sne.s32 s0, $0x0;
	s0 =	rddreg [dreg:$0x3]  }
0x136: {  	s0 =	sadd.s32 @!p0 $0x100000, s0  }
0x137: {  	[sflag:s0] =	ssyncadd.tile.s32 @!p0 $0x1;
	_ =	shalt  }
.Lfunc_end2:
_tile_overlayer_lowered:
.L_overlay_start_2:
0x138: {  	(tag) =	ssettag $0x2  }
0x139: {  	s0 =	rddreg [dreg:$0x0];
	s2 =	stileid.u32  }
0x13a: {  	s1 =	rddreg [dreg:$0x1];
	p0 =	sne.s32 s2, $0x0  }
0x13b: {  	s3 =	rddreg [dreg:$0x2];
	[bflag:$0x3] =	sbarrier.arrive $0xFFFF;
	s2 =	simm.s32 @!p0 $0x1C07  }
0x13c: {  	[timem:s3], [sflag:s2] =	dma.local @!p0 [hbm:s0], s1  }
0x13d: {  	s0 =	simm.s32 @!p0 $0x7  }
0x13e: {  	_ =	swait.ge @!p0 [sflag:s0], s1  }
0x13f: {  	s1 =	ssub.s32 @!p0 $0x0, s1;
	[sflag:s0] =	ssyncset.done @!p0 $0x0  }
0x140: {  	[sflag:s0] =	ssyncadd.s32 @!p0 s1  }
0x141: {  	[bflag:$0x3] =	sbarrier.arrive $0xFFFF  }
0x142: {  	_ =	shalt  }

// kernel: _run.7.cloned.1.call-start
scs
__scs_entry_jumppad:
0x0: {  	(pc) =	sbr.rel $0x88, $3  }
0x1: {  	(tag) =	ssettag $0x0;
	lr =	simm.s32 $0x1  }
0x2: {  	[smem:$0x3F8C] =	sst lr;
	_ =	strace $0xD0000000  }
0x3: {  	_ = 	snop  }
0x4: {  	_ = 	snop  }
0x5: {  	_ = 	snop  }
0x6: {  	_ = 	snop  }
0x7: {  	_ = 	snop  }
__scs_overlays_trampoline_lowered:
0x8: {  	[smem:$0x3F9B] =	sst s0  }
0x9: {  	[smem:$0x3F9C] =	sst s1  }
0xa: {  	[smem:$0x3F9D] =	sst s2  }
0xb: {  	[smem:$0x3F9E] =	sst s3  }
0xc: {  	[smem:$0x3F9F] =	sst s4  }
0xd: {  	[smem:$0x3FA0] =	sst s5  }
0xe: {  	[smem:$0x3FA1] =	sst s6  }
0xf: {  	[smem:$0x3FA2] =	sst s7  }
0x10: {  	[smem:$0x3FA3] =	sst s8  }
0x11: {  	[smem:$0x3FA4] =	sst s9;
	s0 =	simm.s32 @!p0 $0x0  }
0x12: {  	s1 =	sld [smem:$0x3F8A];
	s0 =	simm.s32 @p0 $0x1  }
0x13: {  	[smem:$0x3FA5] =	sst s0;
	s0 =	simm.s32 @!p1 $0x0  }
0x14: {  	s2 =	sld [smem:$0x3F89];
	s0 =	simm.s32 @p1 $0x1  }
0x15: {  	[smem:$0x3FA6] =	sst s0;
	s0 =	simm.s32 @!p2 $0x0  }
0x16: {  	s3 =	sld [smem:$0x3FDB];
	s0 =	simm.s32 @p2 $0x1  }
0x17: {  	s4 =	simm.s32 $0x1BF5;
	[smem:$0x3FA8] =	sst s0  }
0x18: {  	s0 =	sld [smem:$0x3F8B];
	_ =	swait.ge [sflag:s4], $0x0  }
0x19: {  	s7 =	sld [smem:$0x3F8C]  }
0x1a: {  	s8 =	sadd.s32 $0xFFFFE003, lr  }
0x1b: {  	s9 =	sadd.s32 $0xFFFFFEF7, lr;
	s5 =	simm.s32 $0xFFFFFFFF;
	p2 =	slt.u32 s8, $0xFFFFF086  }
0x1c: {  	p1 =	slt.u32 s9, $0xF7A;
	s5 =	simm.s32 @!p2 $0x0  }
0x1d: {  	s5 =	simm.s32 @p1 $0x1;
	p0 =	seq.s32 s7, s2  }
0x1e: {  	s7 =	smul.u32 @!p0 $0xF7A, s2;
	p2 =	seq.s32 @!p0 s5, $0x0  }
0x1f: {  	s9 =	smul.u32 $0xF7A, s1;
	s8 =	simm.s32 @!p0 $0x1BF5;
	p2 =	por !p2, p0  }
0x20: {  	[sflag:s8] =	ssyncset.s32 @!p0 $0xFFFFF086;
	s6 =	sadd.s32 @!p0 s3, s7;
	s7 =	simm.s32 @!p0 $0x108  }
0x21: {  	s3 =	sadd.s32 s3, s9;
	s6 =	sadd.s32 @!p0 $0x88, s6;
	s7 =	simm.s32 @p2 $0x1082  }
0x22: {  	[simem:s7], [sflag:s8] =	dma.local @!p0 [hbm:s6], $0xF7A  }
0x23: {  	s9 =	sor.u32 $0xD0000000, s2;
	s6 =	simm.s32 $0x108;
	_ =	swait.ge @!p0 [sflag:s8], $0x0  }
0x24: {  	s3 =	sadd.s32 $0x88, s3;
	s6 =	simm.s32 @!p1 $0x1082;
	[sflag:s4] =	ssyncset.s32 $0xFFFFF086  }
0x25: {  	[simem:s6], [sflag:s4] =	dma.local [hbm:s3], $0xF7A  }
0x26: {  	[smem:$0x3F8C] =	sst s1;
	(tag) =	ssettag s2;
	_ =	strace s9  }
0x27: {  	s1 =	sld [smem:$0x3F9C]  }
0x28: {  	s2 =	sld [smem:$0x3F9D]  }
0x29: {  	s4 =	sld [smem:$0x3F9F]  }
0x2a: {  	p0 =	seq.s32 s5, $0x0;
	s5 =	sld [smem:$0x3FA0]  }
0x2b: {  	s6 =	sld [smem:$0x3FA1]  }
0x2c: {  	s7 =	sld [smem:$0x3FA2]  }
0x2d: {  	s3 =	simm.s32 $0x108;
	s8 =	sld [smem:$0x3FA3]  }
0x2e: {  	s3 =	simm.s32 @!p0 $0x1082;
	s9 =	sld [smem:$0x3FA4]  }
0x2f: {  	lr =	sadd.s32 s0, s3;
	s0 =	sld [smem:$0x3F9B]  }
0x30: {  	s3 =	sld [smem:$0x3F9E]  }
0x31: {  	[smem:$0x3FA7] =	sst s10  }
0x32: {  	s10 =	sld [smem:$0x3FA5];
	_ =	sdelay $0x3  }
0x33: {  	p0 =	seq.s32 s10, $0x1;
	s10 =	sld [smem:$0x3FA7];
	_ =	sdelay $0x3  }
0x34: {  	[smem:$0x3FA7] =	sst s10  }
0x35: {  	s10 =	sld [smem:$0x3FA6];
	_ =	sdelay $0x3  }
0x36: {  	p1 =	seq.s32 s10, $0x1;
	s10 =	sld [smem:$0x3FA7];
	_ =	sdelay $0x3  }
0x37: {  	[smem:$0x3FA7] =	sst s10  }
0x38: {  	s10 =	sld [smem:$0x3FA8]  }
0x39: {  	_ = 	snop;
	(pc) =	sbr.ind lr, $3  }
0x3a: {  	_ = 	snop  }
0x3b: {  	_ = 	snop  }
0x3c: {  	p2 =	seq.s32 s10, $0x1;
	s10 =	sld [smem:$0x3FA7]  }
0x3d: {  	_ =	shalt  }
0x3e: {  	_ =	shalt  }
0x3f: {  	_ =	shalt  }
0x40: {  	_ =	shalt  }
0x41: {  	_ =	shalt  }
0x42: {  	_ =	shalt  }
0x43: {  	_ =	shalt  }
0x44: {  	_ =	shalt  }
0x45: {  	_ =	shalt  }
0x46: {  	_ =	shalt  }
0x47: {  	_ =	shalt  }
0x48: {  	_ =	shalt  }
0x49: {  	_ =	shalt  }
0x4a: {  	_ =	shalt  }
0x4b: {  	_ =	shalt  }
0x4c: {  	_ =	shalt  }
0x4d: {  	_ =	shalt  }
0x4e: {  	_ =	shalt  }
0x4f: {  	_ =	shalt  }
0x50: {  	_ =	shalt  }
0x51: {  	_ =	shalt  }
0x52: {  	_ =	shalt  }
0x53: {  	_ =	shalt  }
0x54: {  	_ =	shalt  }
0x55: {  	_ =	shalt  }
0x56: {  	_ =	shalt  }
0x57: {  	_ =	shalt  }
0x58: {  	_ =	shalt  }
0x59: {  	_ =	shalt  }
0x5a: {  	_ =	shalt  }
0x5b: {  	_ =	shalt  }
0x5c: {  	_ =	shalt  }
0x5d: {  	_ =	shalt  }
0x5e: {  	_ =	shalt  }
0x5f: {  	_ =	shalt  }
0x60: {  	_ =	shalt  }
0x61: {  	_ =	shalt  }
0x62: {  	_ =	shalt  }
0x63: {  	_ =	shalt  }
0x64: {  	_ =	shalt  }
0x65: {  	_ =	shalt  }
0x66: {  	_ =	shalt  }
0x67: {  	_ =	shalt  }
0x68: {  	_ =	shalt  }
0x69: {  	_ =	shalt  }
0x6a: {  	_ =	shalt  }
0x6b: {  	_ =	shalt  }
0x6c: {  	_ =	shalt  }
0x6d: {  	_ =	shalt  }
0x6e: {  	_ =	shalt  }
0x6f: {  	_ =	shalt  }
0x70: {  	_ =	shalt  }
0x71: {  	_ =	shalt  }
0x72: {  	_ =	shalt  }
0x73: {  	_ =	shalt  }
0x74: {  	_ =	shalt  }
0x75: {  	_ =	shalt  }
0x76: {  	_ =	shalt  }
0x77: {  	_ =	shalt  }
0x78: {  	_ =	shalt  }
0x79: {  	_ =	shalt  }
0x7a: {  	_ =	shalt  }
0x7b: {  	_ =	shalt  }
0x7c: {  	_ =	shalt  }
0x7d: {  	_ =	shalt  }
0x7e: {  	_ =	shalt  }
0x7f: {  	_ =	shalt  }
0x80: {  	_ =	shalt  }
0x81: {  	_ =	shalt  }
0x82: {  	_ =	shalt  }
0x83: {  	_ =	shalt  }
0x84: {  	_ =	shalt  }
0x85: {  	_ =	shalt  }
0x86: {  	_ =	shalt  }
0x87: {  	_ =	shalt  }
.Lfunc_end0:
.L_simem_size_0:
called_computation_lowered:
.L_overlay_start_0:
0x88: {  	s2 =	sld [smem:$0x3FD9]  }
0x89: {  	s3 =	sld [smem:$0x3FFE];
	_ =	sdelay $0x1  }
0x8a: {  	s1 =	srdreg.scid  }
0x8b: {  	s0 =	sand.u32 $0x1, s1  }
0x8c: {  	s17 =	sshll.u32 s0, $0xA;
	s2 =	sadd.s32 s3, s2  }
0x8d: {  	s2 =	sadd.s32 s2, s17  }
0x8e: {  	[smem:$0x3FB3] =	sst s2  }
0x8f: {  	_ = 	snop  }
0x90: {  	s2 =	sld [smem:$0x3FC8]  }
0x91: {  	s18 =	sld [smem:$0x3FD0];
	(tm) =	ssettm $0x1  }
0x92: {  	s4 =	sld [smem:$0x3FFB];
	_ =	sdelay $0x3  }
0x93: {  	_ =	strace s4  }
0x94: {  	s4 =	sld [smem:$0x3FFC];
	_ =	sdelay $0x3  }
0x95: {  	_ =	strace s4  }
0x96: {  	s4 =	sld [smem:$0x3FFD];
	_ =	sdelay $0x3  }
0x97: {  	_ =	strace s4  }
0x98: {  	_ =	strace $0x8FFFFFFF  }
0x99: {  	s19 =	sld [smem:$0x3FDB];
	_ =	sdelay $0x1  }
0x9a: {  	s5 =	simm.s32 $_scs_section_size  }
0x9b: {  	s6 =	simm.s32 $_size__tile_overlayer_lowered;
	s7 =	simm.s32 $_tile_overlayer_lowered  }
0x9c: {  	s22 =	simm.s32 $0x1BFF;
	s21 =	sshll.u32 s7, $0x1;
	s4 =	sadd.s32 s5, s19  }
0x9d: {  	s8 =	simm.s32 $0x0;
	s20 =	sshll.u32 s6, $0x1;
	s6 =	sadd.s32 s21, s4  }
0x9e: {  	[timem:s8], [sflag:s22] =	dma.local [hbm:s6], s20  }
0x9f: {  	_ =	swait.ge [sflag:s22], s20  }
0xa0: {  	s5 =	ssub.s32 $0x0, s20;
	[sflag:s22] =	ssyncset.done $0x0  }
0xa1: {  	[sflag:s22] =	ssyncadd.s32 s5;
	_ =	sdelay $0x1  }
0xa2: {  	s23 =	simm.s32 $0x1B8B  }
0xa3: {  	_ =	swait.ge [sflag:s23], $0x1  }
0xa4: {  	[sflag:s23] =	ssyncset.done $0x0  }
0xa5: {  	s25 =	simm.s32 $0x1B8E;
	s24 =	sld [smem:$0x3FFE];
	[sflag:s23] =	ssyncadd.s32 $0xFFFFFFFF  }
0xa6: {  	s26 =	simm.s32 $execute0_lowered;
	[smem:$0x3FD2] =	sst s25  }
0xa7: {  	s6 =	sshll.u32 s26, $0x1;
	_ =	strace $0x80000046;
	[dreg:$0x1] =	wrdreg $0xFFFFFFFF  }
0xa8: {  	s28 =	simm.s32 $_size_execute0_lowered;
	s4 =	sadd.s32 s4, s6;
	[dreg:$0x0] =	wrdreg $0x0  }
0xa9: {  	s6 =	sshll.u32 s28, $0x1;
	[dreg:$0x2] =	wrdreg s4  }
0xaa: {  	[dreg:$0x3] =	wrdreg s6  }
0xab: {  	[dreg:$0x4] =	wrdreg $0xC0  }
0xac: {  	_ =	task [dreg:s8], $0x5FFFF  }
0xad: {  	[dreg:$0x1] =	wrdreg $0xFFFFFFFF  }
0xae: {  	[dreg:$0x0] =	wrdreg $0x60  }
0xaf: {  	[dreg:$0x2] =	wrdreg s24  }
0xb0: {  	[dreg:$0x3] =	wrdreg s2  }
0xb1: {  	[dreg:$0x4] =	wrdreg s18  }
0xb2: {  	[dreg:$0x5] =	wrdreg $0x9  }
0xb3: {  	_ =	task.clear_ibuf [dreg:s8], $0x6FFFF;
	_ =	strace $0x90000046  }
0xb4: {  	s29 =	simm.s32 $0x9;
	_ =	strace $0x80000048  }
0xb5: {  	_ =	swait.ge [sflag:s29], $0x1  }
0xb6: {  	[sflag:s29] =	ssyncadd.s32 $0xFFFFFFFF  }
0xb7: {  	_ =	strace $0x90000048  }
0xb8: {  	_ =	sfence  }
0xb9: {  	s30 =	sld [smem:$0x0];
	_ =	sdelay $0x2  }
0xba: {  	s31 =	sshll.u32 s1, $0xD;
	s1 =	sshrl.u32 s1, $0x2  }
0xbb: {  	s3 =	sand.u32 $0x4000, s31;
	s1 =	sadd.s32 s1, s30  }
0xbc: {  	s0 =	sor.u32 s3, s0;
	s1 =	sshll.u32 s1, $0x11  }
0xbd: {  	s0 =	sor.u32 s1, s0  }
0xbe: {  	s0 =	sadd.s32 $0x8F2B, s0  }
0xbf: {  	[sflag:s0] =	ssyncadd.remote.s32 $0x1  }
0xc0: {  	_ =	sfence.sel $0xFFFF  }
0xc1: {  	[dreg:$0x0] =	wrdreg $0xFFFFFFFF;
	(pc) =	sbr.abs _section_cstart, $3  }
0xc2: {  	[dreg:$0x1] =	wrdreg $0xFFFFFFFF  }
0xc3: {  	_ =	task.clear_ibuf [dreg:s8], $0x2FFFF;
	_ =	strace $0x9FFFFFFF  }
0xc4: {  	(tm) =	ssettm $0x7FFFFFFF  }
0xc5: {  	_ =	shalt  }
tec
execute0_lowered:
.L_overlay_start_1:
0x0: {  	(tag) =	ssettag $0x1  }
0x1: {  	s7 =	rddreg [dreg:$0x0]  }
0x2: {  	s2 =	rddreg [dreg:$0x1];
	s1 =	srdreg.scid  }
0x3: {  	s0 =	stileid.u32;
	s3 =	rddreg [dreg:$0x2]  }
0x4: {  	s4 =	simm.s32 $0x0;
	s12 =	simm.s32 $0x140;
	s13 =	simm.s32 $0x1  }
0x5: {  	s14 =	simm.s32 $0x1540;
	s15 =	simm.s32 $0x3C50;
	s16 =	simm.s32 $0x4420  }
0x6: {  	s6 =	sand.u32 $0x1, s1;
	s5 =	sshll.u32 s0, $0x1;
	[smem:$0x7FF] =	sst s4  }
0x7: {  	s1 =	rddreg [dreg:$0x3];
	s9 =	sor.u32 s6, s5;
	_ =	strace $0x80000047  }
0x8: {  	s17 =	simm.s32 $0x0;
	s5 =	sadd.s32 $0x19F400, s7;
	s8 =	smul.u32 $0x28, s9  }
0x9: {  	s11 =	ssub.s32 $0x2, s6;
	s6 =	sadd.s32 $0xEC00, s7;
	s10 =	smul.u32 $0x280, s9  }
0xa: {  	s31 =	sshrl.u32 s11, $0x1;
	s9 =	smul.u32 $0x2710, s9;
	s8 =	sadd.s32 s8, s7  }
0xb: {  	s11 =	ssub.s32 s11, s31;
	s10 =	sadd.s32 s10, s7;
	s7 =	sadd.s32 $0x18A00, s8  }
0xc: {  	s8 =	sadd.s32 $0x19000, s10;
	s10 =	smax.u32 s11, $0x1;
	s11 =	simm.s32 $0x2  }
.LBB2_1:
0xd: {  	[tilespmem:s4], [sflag:$0x2] =	stream.linear.gather [hbm4b:s7+s4], $0x140, $0x38;
	[tilespmem:$0x4BF0] =	vst v63  }
0xe: {  	_ =	swait.ge [sflag:s11], $0x140  }
0xf: {  	[sflag:s11] =	ssyncset.done $0x0  }
0x10: {  	[sflag:s11] =	ssyncadd.s32 $0xFFFFFEC0  }
0x11: {  	[tilespmem:s12], [sflag:$0x1] =	stream.indirect.gather [hbm4b:s5+s12], $0x10, s4, s12, $0xb8;
	[tilespmem:$0x4BF0] =	vst v63  }
0x12: {  	_ =	swait.ge [sflag:s13], $0x1400  }
0x13: {  	[sflag:s13] =	ssyncset.done $0x0  }
0x14: {  	[sflag:s13] =	ssyncadd.s32 $0xFFFFEC00  }
0x15: {  	[hbm4b:s8+s4] =	stream.linear.scatter [tilespmem:s12], [sflag:$0x2], $0x1400, $0x38;
	[tilespmem:$0x4BF0] =	vst v63  }
0x16: {  	_ =	swait.ge [sflag:s11], $0x1400  }
0x17: {  	[sflag:s11] =	ssyncset.done $0x0  }
0x18: {  	[sflag:s11] =	ssyncadd.s32 $0xFFFFEC00  }
0x19: {  	[tilespmem:s14], [sflag:$0x2] =	stream.linear.gather [hbm4b:s2+s4], $0x2710, $0x38;
	[tilespmem:$0x4BF0] =	vst v63  }
0x1a: {  	_ =	swait.ge [sflag:s11], $0x2710  }
0x1b: {  	[sflag:s11] =	ssyncset.done $0x0  }
0x1c: {  	s18 =	simm.s32 $0x0;
	[sflag:s11] =	ssyncadd.s32 $0xFFFFD8F0  }
.LBB2_2:
0x1d: {  	s19 =	smul.u32 $0x7D0, s18;
	_ =	sdelay $0x1  }
0x1e: {  	s19 =	sadd.s32 s9, s19  }
0x1f: {  	s19 =	sshrl.u32 s19, $0x3  }
0x20: {  	s20 =	sadd.s32 s6, s19  }
0x21: {  	[tilespmem:s15], [sflag:$0x2] =	stream.linear.gather [hbm4b:s20+s4], $0x7D0, $0x38;
	[tilespmem:$0x4BF0] =	vst v63  }
0x22: {  	_ =	swait.ge [sflag:s11], $0x7D0  }
0x23: {  	s21 =	simm.s32 $0x3C70;
	[sflag:s11] =	ssyncset.done $0x0  }
0x24: {  	s22 =	simm.s32 $0x4440;
	s20 =	simm.s32 $0xFFFFFFFC;
	[sflag:s11] =	ssyncadd.s32 $0xFFFFF830  }
.LBB2_3:
0x25: {  	v0 =	vld [tilespmem:s21+$0xFFFFFFE0];
	_ =	sdelay $0x7  }
0x26: {  	v0 =	vld.idx.msk [tilespmem:v0+s14+$0x0], $0xffff;
	_ =	sdelay $0x4  }
0x27: {  	[tilespmem:s22+$0xFFFFFFE0] =	vst v0  }
0x28: {  	v0 =	vld [tilespmem:s21+$0xFFFFFFF0];
	_ =	sdelay $0x7  }
0x29: {  	v0 =	vld.idx.msk [tilespmem:v0+s14+$0x0], $0xffff;
	_ =	sdelay $0x4  }
0x2a: {  	[tilespmem:s22+$0xFFFFFFF0] =	vst v0  }
0x2b: {  	v0 =	vld [tilespmem:s21+$0x0];
	_ =	sdelay $0x7  }
0x2c: {  	v0 =	vld.idx.msk [tilespmem:v0+s14+$0x0], $0xffff;
	_ =	sdelay $0x4  }
0x2d: {  	[tilespmem:s22+$0x0] =	vst v0  }
0x2e: {  	v0 =	vld [tilespmem:s21+$0x10];
	_ =	sdelay $0x6  }
0x2f: {  	s20 =	sadd.s32 $0x4, s20  }
0x30: {  	p0 =	slt.u32 s20, $0x78;
	v0 =	vld.idx.msk [tilespmem:v0+s14+$0x0], $0xffff  }
.Ltmp0:
0x31: {  	_ = 	snop;
	(pc) =	sbr.rel @p0 .LBB2_3-.Ltmp0, $2  }
0x32: {  	_ =	sdelay $0x2  }
0x33: {  	s21 =	sadd.s32 $0x40, s21;
	[tilespmem:s22+$0x10] =	vst v0;
	s22 =	sadd.s32 $0x40, s22  }
0x34: {  	v0 =	vld [tilespmem:$0x4410];
	_ =	sdelay $0x7  }
0x35: {  	v0 =	vld.idx.msk [tilespmem:v0+s14+$0x0], $0xffff;
	_ =	sdelay $0x2  }
0x36: {  	s18 =	sadd.s32 $0x1, s18  }
0x37: {  	p0 =	sne.s32 s18, $0x5  }
.Ltmp1:
0x38: {  	s19 =	sadd.s32 s3, s19;
	[tilespmem:$0x4BE0] =	vst v0;
	(pc) =	sbr.rel @p0 .LBB2_2-.Ltmp1, $4  }
0x39: {  	[hbm4b:s19+s4] =	stream.linear.scatter [tilespmem:s16], [sflag:$0x2], $0x7D0, $0x38;
	[tilespmem:$0x4BF0] =	vst v63  }
0x3a: {  	_ =	swait.ge [sflag:s11], $0x7D0  }
0x3b: {  	[sflag:s11] =	ssyncset.done $0x0  }
0x3c: {  	[sflag:s11] =	ssyncadd.s32 $0xFFFFF830  }
0x3d: {  	s17 =	sadd.s32 $0x1, s17  }
0x3e: {  	p0 =	sne.s32 s17, s10  }
.Ltmp2:
0x3f: {  	_ = 	snop;
	(pc) =	sbr.rel @p0 .LBB2_1-.Ltmp2, $1  }
0x40: {  	_ =	sdelay $0x3  }
0x41: {  	_ =	sfence.sel $0x180000  }
0x42: {  	[bflag:$0x0] =	sbarrier.arrive $0xFFFF  }
0x43: {  	p0 =	sne.s32 s0, $0x0;
	_ =	strace $0x90000047  }
0x44: {  	s0 =	sadd.s32 @!p0 $0x100000, s1;
	[bflag:$0x2] =	sbarrier.arrive $0xFFFF  }
0x45: {  	[sflag:s0] =	ssyncadd.tile.s32 @!p0 $0x1;
	_ =	shalt  }
.Lfunc_end2:
_tile_overlayer_lowered:
.L_overlay_start_2:
0x46: {  	(tag) =	ssettag $0x2  }
0x47: {  	s0 =	rddreg [dreg:$0x0];
	s2 =	stileid.u32  }
0x48: {  	s1 =	rddreg [dreg:$0x1];
	p0 =	sne.s32 s2, $0x0  }
0x49: {  	s3 =	rddreg [dreg:$0x2];
	[bflag:$0x3] =	sbarrier.arrive $0xFFFF;
	s2 =	simm.s32 @!p0 $0x1C02  }
0x4a: {  	[timem:s3], [sflag:s2] =	dma.local @!p0 [hbm:s0], s1  }
0x4b: {  	s0 =	simm.s32 @!p0 $0x2  }
0x4c: {  	_ =	swait.ge @!p0 [sflag:s0], s1  }
0x4d: {  	s1 =	ssub.s32 @!p0 $0x0, s1;
	[sflag:s0] =	ssyncset.done @!p0 $0x0  }
0x4e: {  	[sflag:s0] =	ssyncadd.s32 @!p0 s1  }
0x4f: {  	[bflag:$0x3] =	sbarrier.arrive $0xFFFF  }
0x50: {  	_ =	shalt  }

</sc_bundles>
